<compile_context>
chip_gen: v7x
topology: tpu7x:2x2x1
jax: 0.10.2.dev20260603
libtpu: 0.0.44.dev20260713+nightly
codegen_flags: <defaults>
</compile_context>

<pallas_src>
import dataclasses

import jax
import jax.numpy as jnp
from jax import lax
from jax.experimental import pallas as pl
from jax.experimental.pallas import tpu as pltpu
from jax.experimental.pallas import tpu_sc as plsc

N = 10000
E = 320000
D = 128
HD = D // 2

NC = 2
NS = 16
NW = NC * NS
BLK = 80
NB = 125
EPW = NB * BLK
EP = NW * EPW
NP = 10112
RPS = NP // NS


def _mesh():
    return plsc.VectorSubcoreMesh(core_axis_name="c", subcore_axis_name="s")


def _deg_body(dst_hbm, degp_hbm, dstv, hist):
    c = lax.axis_index("c")
    s = lax.axis_index("s")
    wid = s * NC + c
    ones16 = jnp.ones((16,), jnp.float32)

    @pl.loop(0, NP // 16)
    def _(i):
        hist[pl.ds(i * 16, 16)] = jnp.zeros((16,), jnp.float32)

    pltpu.sync_copy(dst_hbm.at[wid], dstv)

    @pl.loop(0, NB)
    def _(j):
        @pl.loop(0, BLK // 16)
        def _(k):
            idx = dstv[j, pl.ds(k * 16, 16)]
            plsc.addupdate_scatter(hist, [idx], ones16)

    pltpu.sync_copy(hist, degp_hbm.at[wid, 0])


def _agg_body(src_hbm, dst_hbm, hs_hbm, zeros_hbm, agg_hbm, srcv, dstv,
              rows, aggs):
    c = lax.axis_index("c")
    s = lax.axis_index("s")
    wid = s * NC + c

    pltpu.sync_copy(src_hbm.at[wid], srcv)
    pltpu.sync_copy(dst_hbm.at[wid], dstv)
    pltpu.sync_copy(zeros_hbm.at[pl.ds(s * RPS, RPS)],
                    aggs.at[pl.ds(s * RPS, RPS)])

    plsc.subcore_barrier()

    @pl.loop(0, NB)
    def _(j):
        pltpu.sync_copy(hs_hbm.at[srcv.at[j]], rows)
        pltpu.sync_copy(rows, aggs.at[dstv.at[j]], add=True)

    plsc.subcore_barrier()
    pltpu.sync_copy(aggs.at[pl.ds(s * RPS, RPS)],
                    agg_hbm.at[c, pl.ds(s * RPS, RPS)])


def _compiler_params():
    cp = pltpu.CompilerParams()
    if "needs_layout_passes" in pltpu.CompilerParams.__dataclass_fields__:
        cp = dataclasses.replace(cp, needs_layout_passes=False)
    return cp


def _sc_deg(dst_r):
    k = pl.kernel(
        _deg_body,
        out_type=jax.ShapeDtypeStruct((NW, 1, NP), jnp.float32),
        mesh=_mesh(),
        compiler_params=_compiler_params(),
        scratch_types=[
            pltpu.VMEM((NB, BLK), jnp.int32),
            pltpu.VMEM((NP,), jnp.float32),
        ],
    )
    return k(dst_r)


def _degsum_body(degp_ref, deg_ref):
    p = degp_ref[...].reshape(NW, NP)
    ones = jnp.ones((NW, 16), jnp.float32)
    deg_ref[...] = lax.dot_general(p, ones, (((0,), (0,)), ((), ())),
                                   preferred_element_type=jnp.float32)


def _tc_degsum(degp):
    return pl.pallas_call(
        _degsum_body,
        grid=(1,),
        in_specs=[pl.BlockSpec((NW, 1, NP), lambda i: (0, 0, 0))],
        out_specs=pl.BlockSpec((NP, 16), lambda i: (0, 0)),
        out_shape=jax.ShapeDtypeStruct((NP, 16), jnp.float32),
    )(degp)


def _sc_agg(src_r, dst_r, hs2):
    zeros = jnp.zeros((NP, D), jnp.float32)
    k = pl.kernel(
        _agg_body,
        out_type=jax.ShapeDtypeStruct((NC, NP, D), jnp.float32),
        mesh=_mesh(),
        scratch_types=[
            pltpu.VMEM((NB, BLK), jnp.int32),
            pltpu.VMEM((NB, BLK), jnp.int32),
            pltpu.VMEM((BLK, D), jnp.float32),
            pltpu.VMEM_SHARED((NP, D), jnp.float32),
        ],
    )
    return k(src_r, dst_r, hs2, zeros)


_RB = 1000
_NRB = N // _RB


def _hs_body(x_ref, w_ref, deg_ref, hs_ref):
    degsum = deg_ref[:, 0] + 1.0
    dinv = lax.rsqrt(degsum)
    h = lax.dot_general(x_ref[...], w_ref[...],
                        (((1,), (1,)), ((), ())),
                        preferred_element_type=jnp.float32)
    hs_ref[...] = h * dinv[:, None]


def _tc_hs(x, W, deg):
    return pl.pallas_call(
        _hs_body,
        grid=(_NRB,),
        in_specs=[
            pl.BlockSpec((_RB, D), lambda i: (i, 0)),
            pl.BlockSpec((D, D), lambda i: (0, 0)),
            pl.BlockSpec((_RB, 16), lambda i: (i, 0)),
        ],
        out_specs=pl.BlockSpec((_RB, D), lambda i: (i, 0)),
        out_shape=jax.ShapeDtypeStruct((N, D), jnp.float32),
    )(x, W, deg)


def _pre_block(agg_ref, hs_ref, deg_ref, b_ref):
    degsum = deg_ref[:, 0] + 1.0
    dinv = lax.rsqrt(degsum)
    agg = agg_ref[0] + agg_ref[1]
    return dinv[:, None] * (agg + hs_ref[...]) + b_ref[...][None, :]


def _stats_body(agg_ref, hs_ref, deg_ref, b_ref, stats_ref, acc_ref):
    t = pl.program_id(0)
    pre = _pre_block(agg_ref, hs_ref, deg_ref, b_ref)

    @pl.when(t == 0)
    def _():
        acc_ref[...] = jnp.zeros_like(acc_ref)

    acc_ref[0, :] += jnp.sum(pre, axis=0)
    acc_ref[1, :] += jnp.sum(pre * pre, axis=0)

    @pl.when(t == _NRB - 1)
    def _():
        mean = acc_ref[0, :] * (1.0 / N)
        var = acc_ref[1, :] * (1.0 / N) - mean * mean
        stats_ref[0, :] = mean
        stats_ref[1, :] = lax.rsqrt(var + 1e-5)


def _norm_body(agg_ref, hs_ref, deg_ref, b_ref, stats_ref, g_ref, be_ref,
               out_ref):
    pre = _pre_block(agg_ref, hs_ref, deg_ref, b_ref)
    y = (pre - stats_ref[0, :][None, :]) * stats_ref[1, :][None, :]
    out_ref[...] = jnp.maximum(
        y * g_ref[...][None, :] + be_ref[...][None, :], 0.0)


def _tc_bn(agg, hs2, deg, b, gamma, beta):
    common = [
        pl.BlockSpec((NC, _RB, D), lambda t: (0, t, 0)),
        pl.BlockSpec((_RB, D), lambda t: (t, 0)),
        pl.BlockSpec((_RB, 16), lambda t: (t, 0)),
        pl.BlockSpec((D,), lambda t: (0,)),
    ]
    stats = pl.pallas_call(
        _stats_body,
        grid=(_NRB,),
        in_specs=common,
        out_specs=pl.BlockSpec((2, D), lambda t: (0, 0)),
        out_shape=jax.ShapeDtypeStruct((2, D), jnp.float32),
        scratch_shapes=[pltpu.VMEM((2, D), jnp.float32)],
    )(agg, hs2, deg, b)
    return pl.pallas_call(
        _norm_body,
        grid=(_NRB,),
        in_specs=common + [
            pl.BlockSpec((2, D), lambda t: (0, 0)),
            pl.BlockSpec((D,), lambda t: (0,)),
            pl.BlockSpec((D,), lambda t: (0,)),
        ],
        out_specs=pl.BlockSpec((_RB, D), lambda t: (t, 0)),
        out_shape=jax.ShapeDtypeStruct((N, D), jnp.float32),
    )(agg, hs2, deg, b, stats, gamma, beta)


def kernel(x, edge_index, W, b, gamma, beta):
    src = edge_index[0].astype(jnp.int32).reshape(NW, NB, BLK)
    dst = edge_index[1].astype(jnp.int32).reshape(NW, NB, BLK)
    deg = _tc_degsum(_sc_deg(dst))
    hs2 = _tc_hs(x, W, deg)
    agg = _sc_agg(src, dst, hs2)
    return _tc_bn(agg, hs2, deg, b, gamma, beta)

# --- scband reference (transcript-rebuilt; emitter-appended) ---
"""Pipeline reference for scband-gnnblock-46385646797175 (READ-ONLY COPY).

The authoritative reference and input builder live on the scoring server;
editing this copy changes nothing except your own understanding.
"""

import jax, jax.numpy as jnp
import numpy as np

N_NODES = 10000
N_EDGES = 320000
D_IN = 128
D_OUT = 128

def setup_inputs(seed: int = 0) -> dict:
    key = jax.random.key(seed)
    k1, k2, k3, k4 = jax.random.split(key, 4)
    x = jax.random.normal(k1, (N_NODES, D_IN), dtype=jnp.float32)
    edge_index = jax.random.randint(k2, (2, N_EDGES), 0, N_NODES, dtype=jnp.int64)
    # GCNConv linear weight [out, in] (glorot), bias [out]
    W = jax.random.normal(k3, (D_OUT, D_IN), dtype=jnp.float32) * (1.0 / np.sqrt(D_IN))
    b = jnp.zeros((D_OUT,), dtype=jnp.float32)
    # BatchNorm1d affine params
    gamma = jnp.ones((D_OUT,), dtype=jnp.float32)
    beta = jnp.zeros((D_OUT,), dtype=jnp.float32)
    return {"x": x, "edge_index": edge_index, "W": W, "b": b, "gamma": gamma, "beta": beta}

def reference(x, edge_index, W, b, gamma, beta):
    N = x.shape[0]
    # --- GCNConv (add self loops, symmetric normalization) ---
    src = edge_index[0]
    dst = edge_index[1]
    loop = jnp.arange(N, dtype=edge_index.dtype)
    src = jnp.concatenate([src, loop])
    dst = jnp.concatenate([dst, loop])
    h = x @ W.T  # linear transform first
    deg = jnp.zeros((N,), dtype=h.dtype).at[dst].add(1.0)
    dinv = jnp.where(deg > 0, jax.lax.rsqrt(deg), 0.0)
    norm = dinv[src] * dinv[dst]
    msgs = h[src] * norm[:, None]
    out = jnp.zeros((N, h.shape[1]), dtype=h.dtype).at[dst].add(msgs)
    out = out + b
    # --- BatchNorm1d (training-mode batch statistics) ---
    mean = jnp.mean(out, axis=0)
    var = jnp.var(out, axis=0)
    out = (out - mean) * jax.lax.rsqrt(var + 1e-5)
    out = out * gamma + beta
    # --- ReLU ---
    out = jnp.maximum(out, 0.0)
    # --- Dropout: identity in deterministic/eval reference ---
    return out

if __name__ == "__main__":
    import jax
    _d = setup_inputs()
    print(jax.jit(kernel)(*tuple(_d.values())))

</pallas_src>

<mosaic_0001>
#map = affine_map<(d0, d1) -> (0, 0, 0)>
module attributes {stable_mosaic.version = 14 : i64} {
  func.func @_deg_body(%arg0: i32, %arg1: i32, %arg2: memref<32x125x80xi32, #tpu.memory_space<hbm>>, %arg3: memref<32x1x10112xf32, #tpu.memory_space<hbm>>, %arg4: memref<125x80xi32, #tpu.memory_space<vmem>>, %arg5: memref<10112xf32, #tpu.memory_space<vmem>>) attributes {dimension_semantics = [#tpu.dimension_semantics<core_parallel>, #tpu.dimension_semantics<subcore_parallel>], iteration_bounds = array<i64: 2, 16>, scalar_prefetch = 0 : i64, scratch_operands = 2 : i64, tpu.core_type = #tpu.core_type<sc_vector_subcore>, window_params = [{transform_indices = #map}, {transform_indices = #map}]} {
    %mul3A = arith.constant 2 : i32
    %mul3A_0 = arith.muli %arg1, %mul3A : i32
    %add3A = arith.addi %mul3A_0, %arg0 : i32
    %broadcast_in_dim3A = arith.constant 1.000000e+00 : f32
    %broadcast_in_dim3A_1 = vector.broadcast %broadcast_in_dim3A : f32 to vector<16xf32>
    %scan3A = arith.constant 0 : i32
    %scan3A_2 = arith.constant 632 : i32
    %scan3A_3 = arith.addi %scan3A, %scan3A_2 : i32
    %scan3A_4 = arith.constant 1 : i32
    scf.for %scan3A_11 = %scan3A to %scan3A_3 step %scan3A_4  : i32 {
      %mul3A_12 = arith.constant 1 : i32
      %mul3A_13 = arith.muli %scan3A_11, %mul3A_12 : i32
      %add3A_14 = arith.constant 0 : i32
      %add3A_15 = arith.addi %add3A_14, %mul3A_13 : i32
      %broadcast_in_dim3A_16 = arith.constant 0.000000e+00 : f32
      %broadcast_in_dim3A_17 = vector.broadcast %broadcast_in_dim3A_16 : f32 to vector<16xf32>
      %mul3A_18 = arith.constant 16 : i32
      %mul3A_19 = arith.muli %add3A_15, %mul3A_18 : i32
      %swap3A = arith.index_cast %mul3A_19 : i32 to index
      %swap3A_20 = tpu.vector_load %arg5[%swap3A] {strides = array<i32>} : memref<10112xf32, #tpu.memory_space<vmem>>, vector<16xf32>,
      tpu.vector_store %arg5[%swap3A], %broadcast_in_dim3A_17 {strides = array<i32>} : memref<10112xf32, #tpu.memory_space<vmem>>, vector<16xf32>,
    }
    %scan3A_5 = arith.constant 632 : i32
    "tpu.region"() ({
      %run_scoped3A_11 = tpu.sem_alloc : memref<!tpu.dma_semaphore, #tpu.memory_space<semaphore_mem>>
      %dma_start3A = arith.constant 0 : i32
      %dma_start3A_12 = arith.constant 0 : i32
      %dma_start3A_13 = tpu.memref_slice %arg2[%add3A, %dma_start3A, %dma_start3A_12] : memref<32x125x80xi32, #tpu.memory_space<hbm>> -> memref<1x125x80xi32, #tpu.memory_space<hbm>>
      %dma_start3A_14 = tpu.memref_squeeze %dma_start3A_13 : memref<1x125x80xi32, #tpu.memory_space<hbm>> -> memref<125x80xi32, #tpu.memory_space<hbm>>
      %dma_start3A_15 = arith.constant 0 : i32
      %dma_start3A_16 = arith.constant 0 : i32
      %dma_start3A_17 = tpu.memref_slice %arg2[%add3A, %dma_start3A_15, %dma_start3A_16] : memref<32x125x80xi32, #tpu.memory_space<hbm>> -> memref<1x125x80xi32, #tpu.memory_space<hbm>>
      %dma_start3A_18 = tpu.memref_squeeze %dma_start3A_17 : memref<1x125x80xi32, #tpu.memory_space<hbm>> -> memref<125x80xi32, #tpu.memory_space<hbm>>
      tpu.enqueue_dma source(%dma_start3A_18 : memref<125x80xi32, #tpu.memory_space<hbm>>) target(%arg4 : memref<125x80xi32, #tpu.memory_space<vmem>>) target_semaphore(%run_scoped3A_11 : memref<!tpu.dma_semaphore, #tpu.memory_space<semaphore_mem>>)
      %dma_wait3A = arith.constant 0 : i32
      %dma_wait3A_19 = arith.constant 0 : i32
      %dma_wait3A_20 = tpu.memref_slice %arg2[%add3A, %dma_wait3A, %dma_wait3A_19] : memref<32x125x80xi32, #tpu.memory_space<hbm>> -> memref<1x125x80xi32, #tpu.memory_space<hbm>>
      %dma_wait3A_21 = tpu.memref_squeeze %dma_wait3A_20 : memref<1x125x80xi32, #tpu.memory_space<hbm>> -> memref<125x80xi32, #tpu.memory_space<hbm>>
      %dma_wait3A_22 = arith.constant 0 : i32
      %dma_wait3A_23 = arith.constant 0 : i32
      %dma_wait3A_24 = tpu.memref_slice %arg2[%add3A, %dma_wait3A_22, %dma_wait3A_23] : memref<32x125x80xi32, #tpu.memory_space<hbm>> -> memref<1x125x80xi32, #tpu.memory_space<hbm>>
      %dma_wait3A_25 = tpu.memref_squeeze %dma_wait3A_24 : memref<1x125x80xi32, #tpu.memory_space<hbm>> -> memref<125x80xi32, #tpu.memory_space<hbm>>
      tpu.wait_dma2 semaphore(%run_scoped3A_11 : memref<!tpu.dma_semaphore, #tpu.memory_space<semaphore_mem>>) src(%dma_wait3A_25 : memref<125x80xi32, #tpu.memory_space<hbm>>) dst(%arg4 : memref<125x80xi32, #tpu.memory_space<vmem>>)
      tpu.yield
    }) : () -> ()
    %scan3A_6 = arith.constant 0 : i32
    %scan3A_7 = arith.constant 125 : i32
    %scan3A_8 = arith.addi %scan3A_6, %scan3A_7 : i32
    %scan3A_9 = arith.constant 1 : i32
    scf.for %scan3A_11 = %scan3A_6 to %scan3A_8 step %scan3A_9  : i32 {
      %mul3A_12 = arith.constant 1 : i32
      %mul3A_13 = arith.muli %scan3A_11, %mul3A_12 : i32
      %add3A_14 = arith.constant 0 : i32
      %add3A_15 = arith.addi %add3A_14, %mul3A_13 : i32
      %scan3A_16 = arith.constant 0 : i32
      %scan3A_17 = arith.constant 5 : i32
      %scan3A_18 = arith.addi %scan3A_16, %scan3A_17 : i32
      %scan3A_19 = arith.constant 1 : i32
      scf.for %scan3A_21 = %scan3A_16 to %scan3A_18 step %scan3A_19  : i32 {
        %mul3A_22 = arith.constant 1 : i32
        %mul3A_23 = arith.muli %scan3A_21, %mul3A_22 : i32
        %add3A_24 = arith.constant 0 : i32
        %add3A_25 = arith.addi %add3A_24, %mul3A_23 : i32
        %mul3A_26 = arith.constant 16 : i32
        %mul3A_27 = arith.muli %add3A_25, %mul3A_26 : i32
        %get3A = arith.index_cast %add3A_15 : i32 to index
        %get3A_28 = arith.index_cast %mul3A_27 : i32 to index
        %get3A_29 = tpu.vector_load %arg4[%get3A, %get3A_28] {strides = array<i32>} : memref<125x80xi32, #tpu.memory_space<vmem>>, vector<16xi32>,
        tpu.vector_store_idx %arg5[%get3A_29], %broadcast_in_dim3A_1 {add = true} : memref<10112xf32, #tpu.memory_space<vmem>>[vector<16xi32>], vector<16xf32>,
      }
      %scan3A_20 = arith.constant 5 : i32
    }
    %scan3A_10 = arith.constant 125 : i32
    %run_scoped3A = arith.constant 0 : i32
    "tpu.region"() ({
      %run_scoped3A_11 = tpu.sem_alloc : memref<!tpu.dma_semaphore, #tpu.memory_space<semaphore_mem>>
      %dma_start3A = arith.constant 0 : i32
      %dma_start3A_12 = tpu.memref_slice %arg3[%add3A, %run_scoped3A, %dma_start3A] : memref<32x1x10112xf32, #tpu.memory_space<hbm>> -> memref<1x1x10112xf32, #tpu.memory_space<hbm>>
      %dma_start3A_13 = tpu.memref_squeeze %dma_start3A_12 : memref<1x1x10112xf32, #tpu.memory_space<hbm>> -> memref<10112xf32, #tpu.memory_space<hbm>>
      %dma_start3A_14 = arith.constant 0 : i32
      %dma_start3A_15 = tpu.memref_slice %arg3[%add3A, %run_scoped3A, %dma_start3A_14] : memref<32x1x10112xf32, #tpu.memory_space<hbm>> -> memref<1x1x10112xf32, #tpu.memory_space<hbm>>
      %dma_start3A_16 = tpu.memref_squeeze %dma_start3A_15 : memref<1x1x10112xf32, #tpu.memory_space<hbm>> -> memref<10112xf32, #tpu.memory_space<hbm>>
      tpu.enqueue_dma source(%arg5 : memref<10112xf32, #tpu.memory_space<vmem>>) target(%dma_start3A_16 : memref<10112xf32, #tpu.memory_space<hbm>>) target_semaphore(%run_scoped3A_11 : memref<!tpu.dma_semaphore, #tpu.memory_space<semaphore_mem>>)
      %dma_wait3A = arith.constant 0 : i32
      %dma_wait3A_17 = tpu.memref_slice %arg3[%add3A, %run_scoped3A, %dma_wait3A] : memref<32x1x10112xf32, #tpu.memory_space<hbm>> -> memref<1x1x10112xf32, #tpu.memory_space<hbm>>
      %dma_wait3A_18 = tpu.memref_squeeze %dma_wait3A_17 : memref<1x1x10112xf32, #tpu.memory_space<hbm>> -> memref<10112xf32, #tpu.memory_space<hbm>>
      %dma_wait3A_19 = arith.constant 0 : i32
      %dma_wait3A_20 = tpu.memref_slice %arg3[%add3A, %run_scoped3A, %dma_wait3A_19] : memref<32x1x10112xf32, #tpu.memory_space<hbm>> -> memref<1x1x10112xf32, #tpu.memory_space<hbm>>
      %dma_wait3A_21 = tpu.memref_squeeze %dma_wait3A_20 : memref<1x1x10112xf32, #tpu.memory_space<hbm>> -> memref<10112xf32, #tpu.memory_space<hbm>>
      tpu.wait_dma2 semaphore(%run_scoped3A_11 : memref<!tpu.dma_semaphore, #tpu.memory_space<semaphore_mem>>) src(%arg5 : memref<10112xf32, #tpu.memory_space<vmem>>) dst(%dma_wait3A_21 : memref<10112xf32, #tpu.memory_space<hbm>>)
      tpu.yield
    }) : () -> ()
    return
  }
}

#map = affine_map<(d0, d1) -> (0, 0, 0)>
#map1 = affine_map<(d0, d1) -> (0, 0)>
module attributes {stable_mosaic.version = 14 : i64} {
  func.func @_agg_body(%arg0: i32, %arg1: i32, %arg2: memref<32x125x80xi32, #tpu.memory_space<hbm>>, %arg3: memref<32x125x80xi32, #tpu.memory_space<hbm>>, %arg4: memref<10000x128xf32, #tpu.memory_space<hbm>>, %arg5: memref<10112x128xf32, #tpu.memory_space<hbm>>, %arg6: memref<2x10112x128xf32, #tpu.memory_space<hbm>>, %arg7: memref<125x80xi32, #tpu.memory_space<vmem>>, %arg8: memref<125x80xi32, #tpu.memory_space<vmem>>, %arg9: memref<80x128xf32, #tpu.memory_space<vmem>>, %arg10: memref<10112x128xf32, #tpu.memory_space<vmem_shared>>) attributes {dimension_semantics = [#tpu.dimension_semantics<core_parallel>, #tpu.dimension_semantics<subcore_parallel>], iteration_bounds = array<i64: 2, 16>, scalar_prefetch = 0 : i64, scratch_operands = 4 : i64, tpu.core_type = #tpu.core_type<sc_vector_subcore>, window_params = [{transform_indices = #map}, {transform_indices = #map}, {transform_indices = #map1}, {transform_indices = #map1}, {transform_indices = #map}]} {
    %mul3A = arith.constant 2 : i32
    %mul3A_0 = arith.muli %arg1, %mul3A : i32
    %add3A = arith.addi %mul3A_0, %arg0 : i32
    "tpu.region"() ({
      %run_scoped3A = tpu.sem_alloc : memref<!tpu.dma_semaphore, #tpu.memory_space<semaphore_mem>>
      %dma_start3A = arith.constant 0 : i32
      %dma_start3A_14 = arith.constant 0 : i32
      %dma_start3A_15 = tpu.memref_slice %arg2[%add3A, %dma_start3A, %dma_start3A_14] : memref<32x125x80xi32, #tpu.memory_space<hbm>> -> memref<1x125x80xi32, #tpu.memory_space<hbm>>
      %dma_start3A_16 = tpu.memref_squeeze %dma_start3A_15 : memref<1x125x80xi32, #tpu.memory_space<hbm>> -> memref<125x80xi32, #tpu.memory_space<hbm>>
      %dma_start3A_17 = arith.constant 0 : i32
      %dma_start3A_18 = arith.constant 0 : i32
      %dma_start3A_19 = tpu.memref_slice %arg2[%add3A, %dma_start3A_17, %dma_start3A_18] : memref<32x125x80xi32, #tpu.memory_space<hbm>> -> memref<1x125x80xi32, #tpu.memory_space<hbm>>
      %dma_start3A_20 = tpu.memref_squeeze %dma_start3A_19 : memref<1x125x80xi32, #tpu.memory_space<hbm>> -> memref<125x80xi32, #tpu.memory_space<hbm>>
      tpu.enqueue_dma source(%dma_start3A_20 : memref<125x80xi32, #tpu.memory_space<hbm>>) target(%arg7 : memref<125x80xi32, #tpu.memory_space<vmem>>) target_semaphore(%run_scoped3A : memref<!tpu.dma_semaphore, #tpu.memory_space<semaphore_mem>>)
      %dma_wait3A = arith.constant 0 : i32
      %dma_wait3A_21 = arith.constant 0 : i32
      %dma_wait3A_22 = tpu.memref_slice %arg2[%add3A, %dma_wait3A, %dma_wait3A_21] : memref<32x125x80xi32, #tpu.memory_space<hbm>> -> memref<1x125x80xi32, #tpu.memory_space<hbm>>
      %dma_wait3A_23 = tpu.memref_squeeze %dma_wait3A_22 : memref<1x125x80xi32, #tpu.memory_space<hbm>> -> memref<125x80xi32, #tpu.memory_space<hbm>>
      %dma_wait3A_24 = arith.constant 0 : i32
      %dma_wait3A_25 = arith.constant 0 : i32
      %dma_wait3A_26 = tpu.memref_slice %arg2[%add3A, %dma_wait3A_24, %dma_wait3A_25] : memref<32x125x80xi32, #tpu.memory_space<hbm>> -> memref<1x125x80xi32, #tpu.memory_space<hbm>>
      %dma_wait3A_27 = tpu.memref_squeeze %dma_wait3A_26 : memref<1x125x80xi32, #tpu.memory_space<hbm>> -> memref<125x80xi32, #tpu.memory_space<hbm>>
      tpu.wait_dma2 semaphore(%run_scoped3A : memref<!tpu.dma_semaphore, #tpu.memory_space<semaphore_mem>>) src(%dma_wait3A_27 : memref<125x80xi32, #tpu.memory_space<hbm>>) dst(%arg7 : memref<125x80xi32, #tpu.memory_space<vmem>>)
      tpu.yield
    }) : () -> ()
    "tpu.region"() ({
      %run_scoped3A = tpu.sem_alloc : memref<!tpu.dma_semaphore, #tpu.memory_space<semaphore_mem>>
      %dma_start3A = arith.constant 0 : i32
      %dma_start3A_14 = arith.constant 0 : i32
      %dma_start3A_15 = tpu.memref_slice %arg3[%add3A, %dma_start3A, %dma_start3A_14] : memref<32x125x80xi32, #tpu.memory_space<hbm>> -> memref<1x125x80xi32, #tpu.memory_space<hbm>>
      %dma_start3A_16 = tpu.memref_squeeze %dma_start3A_15 : memref<1x125x80xi32, #tpu.memory_space<hbm>> -> memref<125x80xi32, #tpu.memory_space<hbm>>
      %dma_start3A_17 = arith.constant 0 : i32
      %dma_start3A_18 = arith.constant 0 : i32
      %dma_start3A_19 = tpu.memref_slice %arg3[%add3A, %dma_start3A_17, %dma_start3A_18] : memref<32x125x80xi32, #tpu.memory_space<hbm>> -> memref<1x125x80xi32, #tpu.memory_space<hbm>>
      %dma_start3A_20 = tpu.memref_squeeze %dma_start3A_19 : memref<1x125x80xi32, #tpu.memory_space<hbm>> -> memref<125x80xi32, #tpu.memory_space<hbm>>
      tpu.enqueue_dma source(%dma_start3A_20 : memref<125x80xi32, #tpu.memory_space<hbm>>) target(%arg8 : memref<125x80xi32, #tpu.memory_space<vmem>>) target_semaphore(%run_scoped3A : memref<!tpu.dma_semaphore, #tpu.memory_space<semaphore_mem>>)
      %dma_wait3A = arith.constant 0 : i32
      %dma_wait3A_21 = arith.constant 0 : i32
      %dma_wait3A_22 = tpu.memref_slice %arg3[%add3A, %dma_wait3A, %dma_wait3A_21] : memref<32x125x80xi32, #tpu.memory_space<hbm>> -> memref<1x125x80xi32, #tpu.memory_space<hbm>>
      %dma_wait3A_23 = tpu.memref_squeeze %dma_wait3A_22 : memref<1x125x80xi32, #tpu.memory_space<hbm>> -> memref<125x80xi32, #tpu.memory_space<hbm>>
      %dma_wait3A_24 = arith.constant 0 : i32
      %dma_wait3A_25 = arith.constant 0 : i32
      %dma_wait3A_26 = tpu.memref_slice %arg3[%add3A, %dma_wait3A_24, %dma_wait3A_25] : memref<32x125x80xi32, #tpu.memory_space<hbm>> -> memref<1x125x80xi32, #tpu.memory_space<hbm>>
      %dma_wait3A_27 = tpu.memref_squeeze %dma_wait3A_26 : memref<1x125x80xi32, #tpu.memory_space<hbm>> -> memref<125x80xi32, #tpu.memory_space<hbm>>
      tpu.wait_dma2 semaphore(%run_scoped3A : memref<!tpu.dma_semaphore, #tpu.memory_space<semaphore_mem>>) src(%dma_wait3A_27 : memref<125x80xi32, #tpu.memory_space<hbm>>) dst(%arg8 : memref<125x80xi32, #tpu.memory_space<vmem>>)
      tpu.yield
    }) : () -> ()
    %mul3A_1 = arith.constant 632 : i32
    %mul3A_2 = arith.muli %arg1, %mul3A_1 : i32
    %mul3A_3 = arith.constant 632 : i32
    %mul3A_4 = arith.muli %arg1, %mul3A_3 : i32
    "tpu.region"() ({
      %run_scoped3A = tpu.sem_alloc : memref<!tpu.dma_semaphore, #tpu.memory_space<semaphore_mem>>
      %dma_start3A = arith.constant 0 : i32
      %dma_start3A_14 = tpu.memref_slice %arg10[%mul3A_4, %dma_start3A] : memref<10112x128xf32, #tpu.memory_space<vmem_shared>> -> memref<632x128xf32, #tpu.memory_space<vmem_shared>>
      %dma_start3A_15 = arith.constant 0 : i32
      %dma_start3A_16 = tpu.memref_slice %arg5[%mul3A_2, %dma_start3A_15] : memref<10112x128xf32, #tpu.memory_space<hbm>> -> memref<632x128xf32, #tpu.memory_space<hbm>>
      tpu.enqueue_dma source(%dma_start3A_16 : memref<632x128xf32, #tpu.memory_space<hbm>>) target(%dma_start3A_14 : memref<632x128xf32, #tpu.memory_space<vmem_shared>>) target_semaphore(%run_scoped3A : memref<!tpu.dma_semaphore, #tpu.memory_space<semaphore_mem>>)
      %dma_wait3A = arith.constant 0 : i32
      %dma_wait3A_17 = tpu.memref_slice %arg10[%mul3A_4, %dma_wait3A] : memref<10112x128xf32, #tpu.memory_space<vmem_shared>> -> memref<632x128xf32, #tpu.memory_space<vmem_shared>>
      %dma_wait3A_18 = arith.constant 0 : i32
      %dma_wait3A_19 = tpu.memref_slice %arg5[%mul3A_2, %dma_wait3A_18] : memref<10112x128xf32, #tpu.memory_space<hbm>> -> memref<632x128xf32, #tpu.memory_space<hbm>>
      tpu.wait_dma2 semaphore(%run_scoped3A : memref<!tpu.dma_semaphore, #tpu.memory_space<semaphore_mem>>) src(%dma_wait3A_19 : memref<632x128xf32, #tpu.memory_space<hbm>>) dst(%dma_wait3A_17 : memref<632x128xf32, #tpu.memory_space<vmem_shared>>)
      tpu.yield
    }) : () -> ()
    %barrier3A = arith.constant 0 : index
    tpu.barrier barrier_id(%barrier3A)
    %scan3A = arith.constant 0 : i32
    %scan3A_5 = arith.constant 125 : i32
    %scan3A_6 = arith.addi %scan3A, %scan3A_5 : i32
    %scan3A_7 = arith.constant 1 : i32
    scf.for %scan3A_14 = %scan3A to %scan3A_6 step %scan3A_7  : i32 {
      %mul3A_15 = arith.constant 1 : i32
      %mul3A_16 = arith.muli %scan3A_14, %mul3A_15 : i32
      %add3A_17 = arith.constant 0 : i32
      %add3A_18 = arith.addi %add3A_17, %mul3A_16 : i32
      "tpu.region"() ({
        %run_scoped3A = tpu.sem_alloc : memref<!tpu.dma_semaphore, #tpu.memory_space<semaphore_mem>>
        %dma_start3A = arith.constant 0 : i32
        %dma_start3A_19 = tpu.memref_slice %arg7[%add3A_18, %dma_start3A] : memref<125x80xi32, #tpu.memory_space<vmem>> -> memref<1x80xi32, #tpu.memory_space<vmem>>
        %dma_start3A_20 = tpu.memref_squeeze %dma_start3A_19 : memref<1x80xi32, #tpu.memory_space<vmem>> -> memref<80xi32, #tpu.memory_space<vmem>>
        %dma_start3A_21 = arith.constant 0 : i32
        %dma_start3A_22 = arith.constant 0 : i32
        %dma_start3A_23 = tpu.memref_slice %arg4[%dma_start3A_21, %dma_start3A_22] : memref<10000x128xf32, #tpu.memory_space<hbm>> -> memref<10000x128xf32, #tpu.memory_space<hbm>>
        tpu.enqueue_indirect_dma source(%dma_start3A_23 : memref<10000x128xf32, #tpu.memory_space<hbm>>) target(%arg9 : memref<80x128xf32, #tpu.memory_space<vmem>>) offsets(%dma_start3A_20 : memref<80xi32, #tpu.memory_space<vmem>>) semaphore(%run_scoped3A : memref<!tpu.dma_semaphore, #tpu.memory_space<semaphore_mem>>)
        %dma_wait3A = arith.constant 0 : i32
        %dma_wait3A_24 = tpu.memref_slice %arg7[%add3A_18, %dma_wait3A] : memref<125x80xi32, #tpu.memory_space<vmem>> -> memref<1x80xi32, #tpu.memory_space<vmem>>
        %dma_wait3A_25 = tpu.memref_squeeze %dma_wait3A_24 : memref<1x80xi32, #tpu.memory_space<vmem>> -> memref<80xi32, #tpu.memory_space<vmem>>
        %dma_wait3A_26 = arith.constant 0 : i32
        %dma_wait3A_27 = arith.constant 0 : i32
        %dma_wait3A_28 = tpu.memref_slice %arg4[%dma_wait3A_26, %dma_wait3A_27] : memref<10000x128xf32, #tpu.memory_space<hbm>> -> memref<10000x128xf32, #tpu.memory_space<hbm>>
        tpu.wait_indirect_dma semaphore(%run_scoped3A : memref<!tpu.dma_semaphore, #tpu.memory_space<semaphore_mem>>) src(%dma_wait3A_28 : memref<10000x128xf32, #tpu.memory_space<hbm>>) dst(%arg9 : memref<80x128xf32, #tpu.memory_space<vmem>>)
        tpu.yield
      }) : () -> ()
      "tpu.region"() ({
        %run_scoped3A = tpu.sem_alloc : memref<!tpu.dma_semaphore, #tpu.memory_space<semaphore_mem>>
        %dma_start3A = arith.constant 0 : i32
        %dma_start3A_19 = tpu.memref_slice %arg8[%add3A_18, %dma_start3A] : memref<125x80xi32, #tpu.memory_space<vmem>> -> memref<1x80xi32, #tpu.memory_space<vmem>>
        %dma_start3A_20 = tpu.memref_squeeze %dma_start3A_19 : memref<1x80xi32, #tpu.memory_space<vmem>> -> memref<80xi32, #tpu.memory_space<vmem>>
        %dma_start3A_21 = arith.constant 0 : i32
        %dma_start3A_22 = arith.constant 0 : i32
        %dma_start3A_23 = tpu.memref_slice %arg10[%dma_start3A_21, %dma_start3A_22] : memref<10112x128xf32, #tpu.memory_space<vmem_shared>> -> memref<10112x128xf32, #tpu.memory_space<vmem_shared>>
        tpu.enqueue_indirect_dma source(%arg9 : memref<80x128xf32, #tpu.memory_space<vmem>>) target(%dma_start3A_23 : memref<10112x128xf32, #tpu.memory_space<vmem_shared>>) offsets(%dma_start3A_20 : memref<80xi32, #tpu.memory_space<vmem>>) semaphore(%run_scoped3A : memref<!tpu.dma_semaphore, #tpu.memory_space<semaphore_mem>>) {add = true}
        %dma_wait3A = arith.constant 0 : i32
        %dma_wait3A_24 = tpu.memref_slice %arg8[%add3A_18, %dma_wait3A] : memref<125x80xi32, #tpu.memory_space<vmem>> -> memref<1x80xi32, #tpu.memory_space<vmem>>
        %dma_wait3A_25 = tpu.memref_squeeze %dma_wait3A_24 : memref<1x80xi32, #tpu.memory_space<vmem>> -> memref<80xi32, #tpu.memory_space<vmem>>
        %dma_wait3A_26 = arith.constant 0 : i32
        %dma_wait3A_27 = arith.constant 0 : i32
        %dma_wait3A_28 = tpu.memref_slice %arg10[%dma_wait3A_26, %dma_wait3A_27] : memref<10112x128xf32, #tpu.memory_space<vmem_shared>> -> memref<10112x128xf32, #tpu.memory_space<vmem_shared>>
        tpu.wait_indirect_dma semaphore(%run_scoped3A : memref<!tpu.dma_semaphore, #tpu.memory_space<semaphore_mem>>) src(%arg9 : memref<80x128xf32, #tpu.memory_space<vmem>>) dst(%dma_wait3A_28 : memref<10112x128xf32, #tpu.memory_space<vmem_shared>>)
        tpu.yield
      }) : () -> ()
    }
    %scan3A_8 = arith.constant 125 : i32
    %barrier3A_9 = arith.constant 0 : index
    tpu.barrier barrier_id(%barrier3A_9)
    %mul3A_10 = arith.constant 632 : i32
    %mul3A_11 = arith.muli %arg1, %mul3A_10 : i32
    %mul3A_12 = arith.constant 632 : i32
    %mul3A_13 = arith.muli %arg1, %mul3A_12 : i32
    "tpu.region"() ({
      %run_scoped3A = tpu.sem_alloc : memref<!tpu.dma_semaphore, #tpu.memory_space<semaphore_mem>>
      %dma_start3A = arith.constant 0 : i32
      %dma_start3A_14 = tpu.memref_slice %arg6[%arg0, %mul3A_13, %dma_start3A] : memref<2x10112x128xf32, #tpu.memory_space<hbm>> -> memref<1x632x128xf32, #tpu.memory_space<hbm>>
      %dma_start3A_15 = tpu.memref_squeeze %dma_start3A_14 : memref<1x632x128xf32, #tpu.memory_space<hbm>> -> memref<632x128xf32, #tpu.memory_space<hbm>>
      %dma_start3A_16 = arith.constant 0 : i32
      %dma_start3A_17 = tpu.memref_slice %arg10[%mul3A_11, %dma_start3A_16] : memref<10112x128xf32, #tpu.memory_space<vmem_shared>> -> memref<632x128xf32, #tpu.memory_space<vmem_shared>>
      tpu.enqueue_dma source(%dma_start3A_17 : memref<632x128xf32, #tpu.memory_space<vmem_shared>>) target(%dma_start3A_15 : memref<632x128xf32, #tpu.memory_space<hbm>>) target_semaphore(%run_scoped3A : memref<!tpu.dma_semaphore, #tpu.memory_space<semaphore_mem>>)
      %dma_wait3A = arith.constant 0 : i32
      %dma_wait3A_18 = tpu.memref_slice %arg6[%arg0, %mul3A_13, %dma_wait3A] : memref<2x10112x128xf32, #tpu.memory_space<hbm>> -> memref<1x632x128xf32, #tpu.memory_space<hbm>>
      %dma_wait3A_19 = tpu.memref_squeeze %dma_wait3A_18 : memref<1x632x128xf32, #tpu.memory_space<hbm>> -> memref<632x128xf32, #tpu.memory_space<hbm>>
      %dma_wait3A_20 = arith.constant 0 : i32
      %dma_wait3A_21 = tpu.memref_slice %arg10[%mul3A_11, %dma_wait3A_20] : memref<10112x128xf32, #tpu.memory_space<vmem_shared>> -> memref<632x128xf32, #tpu.memory_space<vmem_shared>>
      tpu.wait_dma2 semaphore(%run_scoped3A : memref<!tpu.dma_semaphore, #tpu.memory_space<semaphore_mem>>) src(%dma_wait3A_21 : memref<632x128xf32, #tpu.memory_space<vmem_shared>>) dst(%dma_wait3A_19 : memref<632x128xf32, #tpu.memory_space<hbm>>)
      tpu.yield
    }) : () -> ()
    return
  }
}

module attributes {stable_mosaic.version = 14 : i64} {
  func.func @_hs_body(%arg0: i32, %arg1: memref<1000x128xf32, #tpu.memory_space<vmem>>, %arg2: memref<128x128xf32, #tpu.memory_space<vmem>>, %arg3: memref<1000x16xf32, #tpu.memory_space<vmem>>, %arg4: memref<1000x128xf32, #tpu.memory_space<vmem>>) attributes {dimension_semantics = [#tpu.dimension_semantics<arbitrary>], iteration_bounds = array<i64: 10>, scalar_prefetch = 0 : i64, scratch_operands = 0 : i64, tpu.core_type = #tpu.core_type<tc>, window_params = [{transform_indices = @transform_0, window_bounds = array<i64: 1000, 128>}, {pipeline_mode = #tpu.pipeline_mode<synchronous>, transform_indices = @transform_1, window_bounds = array<i64: 128, 128>}, {transform_indices = @transform_2, window_bounds = array<i64: 1000, 16>}, {transform_indices = @transform_3, window_bounds = array<i64: 1000, 128>}]} {
    %get3A = arith.constant 0 : index
    %get3A_0 = arith.constant 0 : index
    %get3A_1 = vector.load %arg3[%get3A, %get3A_0] : memref<1000x16xf32, #tpu.memory_space<vmem>>, vector<1000x1xf32>
    %get3A_2 = vector.shape_cast %get3A_1 : vector<1000x1xf32> to vector<1000xf32>
    %add3A = arith.constant 1.000000e+00 : f32
    %add3A_3 = vector.broadcast %add3A : f32 to vector<1000xf32>
    %add3A_4 = arith.addf %get3A_2, %add3A_3 : vector<1000xf32>
    %rsqrt3A = math.rsqrt %add3A_4 : vector<1000xf32>
    %get3A_5 = arith.constant 0 : index
    %get3A_6 = arith.constant 0 : index
    %get3A_7 = vector.load %arg1[%get3A_5, %get3A_6] : memref<1000x128xf32, #tpu.memory_space<vmem>>, vector<1000x128xf32>
    %get3A_8 = arith.constant 0 : index
    %get3A_9 = arith.constant 0 : index
    %get3A_10 = vector.load %arg2[%get3A_8, %get3A_9] : memref<128x128xf32, #tpu.memory_space<vmem>>, vector<128x128xf32>
    %dot_general3A = arith.constant dense<0.000000e+00> : vector<1000x128xf32>
    %dot_general3A_11 = tpu.matmul %get3A_7, %get3A_10, %dot_general3A {dimension_numbers = #tpu.dot_dimension_numbers<[1], [1], [0], [0], [0, 0, 1, 0], [], []>, transpose_lhs_hint = false} : vector<1000x128xf32>, vector<128x128xf32>, vector<1000x128xf32> -> vector<1000x128xf32>
    %broadcast_in_dim3A = vector.shape_cast %rsqrt3A : vector<1000xf32> to vector<1000x1xf32>
    %mul3A = vector.broadcast %broadcast_in_dim3A : vector<1000x1xf32> to vector<1000x128xf32>
    %mul3A_12 = arith.mulf %dot_general3A_11, %mul3A : vector<1000x128xf32>
    %swap3A = arith.constant 0 : index
    %swap3A_13 = arith.constant 0 : index
    %swap3A_14 = vector.load %arg4[%swap3A, %swap3A_13] : memref<1000x128xf32, #tpu.memory_space<vmem>>, vector<1000x128xf32>
    tpu.vector_store %arg4[%swap3A, %swap3A_13], %mul3A_12 {strides = array<i32>} : memref<1000x128xf32, #tpu.memory_space<vmem>>, vector<1000x128xf32>,
    return
  }
  func.func @transform_0(%arg0: i32) -> (i32, i32) {
    %c0_i32 = arith.constant 0 : i32
    %c0_i32_0 = arith.constant 0 : i32
    return %arg0, %c0_i32 : i32, i32
  }
  func.func @transform_1(%arg0: i32) -> (i32, i32) {
    %c0_i32 = arith.constant 0 : i32
    %c0_i32_0 = arith.constant 0 : i32
    %c0_i32_1 = arith.constant 0 : i32
    return %c0_i32, %c0_i32_0 : i32, i32
  }
  func.func @transform_2(%arg0: i32) -> (i32, i32) {
    %c0_i32 = arith.constant 0 : i32
    %c0_i32_0 = arith.constant 0 : i32
    return %arg0, %c0_i32 : i32, i32
  }
  func.func @transform_3(%arg0: i32) -> (i32, i32) {
    %c0_i32 = arith.constant 0 : i32
    %c0_i32_0 = arith.constant 0 : i32
    return %arg0, %c0_i32 : i32, i32
  }
}

module attributes {stable_mosaic.version = 14 : i64} {
  func.func @_degsum_body(%arg0: i32, %arg1: memref<32x1x10112xf32, #tpu.memory_space<vmem>>, %arg2: memref<10112x16xf32, #tpu.memory_space<vmem>>) attributes {dimension_semantics = [#tpu.dimension_semantics<arbitrary>], iteration_bounds = array<i64: 1>, scalar_prefetch = 0 : i64, scratch_operands = 0 : i64, tpu.core_type = #tpu.core_type<tc>, window_params = [{pipeline_mode = #tpu.pipeline_mode<synchronous>, transform_indices = @transform_0, window_bounds = array<i64: 32, 1, 10112>}, {pipeline_mode = #tpu.pipeline_mode<synchronous>, transform_indices = @transform_1, window_bounds = array<i64: 10112, 16>}]} {
    %get3A = arith.constant 0 : index
    %get3A_0 = arith.constant 0 : index
    %get3A_1 = arith.constant 0 : index
    %get3A_2 = vector.load %arg1[%get3A, %get3A_0, %get3A_1] : memref<32x1x10112xf32, #tpu.memory_space<vmem>>, vector<32x1x10112xf32>
    %reshape3A = vector.shape_cast %get3A_2 : vector<32x1x10112xf32> to vector<32x10112xf32>
    %broadcast_in_dim3A = arith.constant 1.000000e+00 : f32
    %broadcast_in_dim3A_3 = vector.broadcast %broadcast_in_dim3A : f32 to vector<32x16xf32>
    %dot_general3A = arith.constant dense<0.000000e+00> : vector<10112x16xf32>
    %dot_general3A_4 = tpu.matmul %reshape3A, %broadcast_in_dim3A_3, %dot_general3A {dimension_numbers = #tpu.dot_dimension_numbers<[0], [0], [1], [1], [0, 1, 1, 1], [], []>, transpose_lhs_hint = false} : vector<32x10112xf32>, vector<32x16xf32>, vector<10112x16xf32> -> vector<10112x16xf32>
    %swap3A = arith.constant 0 : index
    %swap3A_5 = arith.constant 0 : index
    %swap3A_6 = vector.load %arg2[%swap3A, %swap3A_5] : memref<10112x16xf32, #tpu.memory_space<vmem>>, vector<10112x16xf32>
    tpu.vector_store %arg2[%swap3A, %swap3A_5], %dot_general3A_4 {strides = array<i32>} : memref<10112x16xf32, #tpu.memory_space<vmem>>, vector<10112x16xf32>,
    return
  }
  func.func @transform_0(%arg0: i32) -> (i32, i32, i32) {
    %c0_i32 = arith.constant 0 : i32
    %c0_i32_0 = arith.constant 0 : i32
    %c0_i32_1 = arith.constant 0 : i32
    %c0_i32_2 = arith.constant 0 : i32
    return %c0_i32, %c0_i32_0, %c0_i32_1 : i32, i32, i32
  }
  func.func @transform_1(%arg0: i32) -> (i32, i32) {
    %c0_i32 = arith.constant 0 : i32
    %c0_i32_0 = arith.constant 0 : i32
    %c0_i32_1 = arith.constant 0 : i32
    return %c0_i32, %c0_i32_0 : i32, i32
  }
}

module attributes {stable_mosaic.version = 14 : i64} {
  func.func @_stats_body(%arg0: i32, %arg1: memref<2x1000x128xf32, #tpu.memory_space<vmem>>, %arg2: memref<1000x128xf32, #tpu.memory_space<vmem>>, %arg3: memref<1000x16xf32, #tpu.memory_space<vmem>>, %arg4: memref<128xf32, #tpu.memory_space<vmem>>, %arg5: memref<2x128xf32, #tpu.memory_space<vmem>>, %arg6: memref<2x128xf32, #tpu.memory_space<vmem>>) attributes {dimension_semantics = [#tpu.dimension_semantics<arbitrary>], iteration_bounds = array<i64: 10>, scalar_prefetch = 0 : i64, scratch_operands = 1 : i64, tpu.core_type = #tpu.core_type<tc>, window_params = [{transform_indices = @transform_0, window_bounds = array<i64: 2, 1000, 128>}, {transform_indices = @transform_1, window_bounds = array<i64: 1000, 128>}, {transform_indices = @transform_2, window_bounds = array<i64: 1000, 16>}, {pipeline_mode = #tpu.pipeline_mode<synchronous>, transform_indices = @transform_3, window_bounds = array<i64: 128>}, {pipeline_mode = #tpu.pipeline_mode<synchronous>, transform_indices = @transform_4, window_bounds = array<i64: 2, 128>}]} {
    %get3A = arith.constant 0 : index
    %get3A_0 = arith.constant 0 : index
    %get3A_1 = vector.load %arg3[%get3A, %get3A_0] : memref<1000x16xf32, #tpu.memory_space<vmem>>, vector<1000x1xf32>
    %get3A_2 = vector.shape_cast %get3A_1 : vector<1000x1xf32> to vector<1000xf32>
    %add3A = arith.constant 1.000000e+00 : f32
    %add3A_3 = vector.broadcast %add3A : f32 to vector<1000xf32>
    %add3A_4 = arith.addf %get3A_2, %add3A_3 : vector<1000xf32>
    %rsqrt3A = math.rsqrt %add3A_4 : vector<1000xf32>
    %get3A_5 = arith.constant 0 : index
    %get3A_6 = arith.constant 0 : index
    %get3A_7 = arith.constant 0 : index
    %get3A_8 = vector.load %arg1[%get3A_5, %get3A_6, %get3A_7] : memref<2x1000x128xf32, #tpu.memory_space<vmem>>, vector<1x1000x128xf32>
    %get3A_9 = vector.shape_cast %get3A_8 : vector<1x1000x128xf32> to vector<1000x128xf32>
    %get3A_10 = arith.constant 1 : index
    %get3A_11 = arith.constant 0 : index
    %get3A_12 = arith.constant 0 : index
    %get3A_13 = vector.load %arg1[%get3A_10, %get3A_11, %get3A_12] : memref<2x1000x128xf32, #tpu.memory_space<vmem>>, vector<1x1000x128xf32>
    %get3A_14 = vector.shape_cast %get3A_13 : vector<1x1000x128xf32> to vector<1000x128xf32>
    %add3A_15 = arith.addf %get3A_9, %get3A_14 : vector<1000x128xf32>
    %broadcast_in_dim3A = vector.shape_cast %rsqrt3A : vector<1000xf32> to vector<1000x1xf32>
    %get3A_16 = arith.constant 0 : index
    %get3A_17 = arith.constant 0 : index
    %get3A_18 = vector.load %arg2[%get3A_16, %get3A_17] : memref<1000x128xf32, #tpu.memory_space<vmem>>, vector<1000x128xf32>
    %add3A_19 = arith.addf %add3A_15, %get3A_18 : vector<1000x128xf32>
    %mul3A = vector.broadcast %broadcast_in_dim3A : vector<1000x1xf32> to vector<1000x128xf32>
    %mul3A_20 = arith.mulf %mul3A, %add3A_19 : vector<1000x128xf32>
    %get3A_21 = arith.constant 0 : index
    %get3A_22 = vector.load %arg4[%get3A_21] : memref<128xf32, #tpu.memory_space<vmem>>, vector<128xf32>
    %broadcast_in_dim3A_23 = vector.shape_cast %get3A_22 : vector<128xf32> to vector<1x128xf32>
    %add3A_24 = vector.broadcast %broadcast_in_dim3A_23 : vector<1x128xf32> to vector<1000x128xf32>
    %add3A_25 = arith.addf %mul3A_20, %add3A_24 : vector<1000x128xf32>
    %eq3A = arith.constant 0 : i32
    %eq3A_26 = arith.cmpi eq, %arg0, %eq3A : i32
    %convert_element_type3A = arith.extui %eq3A_26 : i1 to i32
    %cond3A = arith.constant 0 : i32
    %cond3A_27 = arith.cmpi ne, %convert_element_type3A, %cond3A : i32
    scf.if %cond3A_27 {
      %broadcast_in_dim3A_56 = arith.constant 0.000000e+00 : f32
      %broadcast_in_dim3A_57 = vector.broadcast %broadcast_in_dim3A_56 : f32 to vector<2x128xf32>
      %swap3A_58 = arith.constant 0 : index
      %swap3A_59 = arith.constant 0 : index
      %swap3A_60 = vector.load %arg6[%swap3A_58, %swap3A_59] : memref<2x128xf32, #tpu.memory_space<vmem>>, vector<2x128xf32>
      tpu.vector_store %arg6[%swap3A_58, %swap3A_59], %broadcast_in_dim3A_57 {strides = array<i32>} : memref<2x128xf32, #tpu.memory_space<vmem>>, vector<2x128xf32>,
    } else {
    }
    %get3A_28 = arith.constant 0 : index
    %get3A_29 = arith.constant 0 : index
    %get3A_30 = vector.load %arg6[%get3A_28, %get3A_29] : memref<2x128xf32, #tpu.memory_space<vmem>>, vector<1x128xf32>
    %get3A_31 = vector.shape_cast %get3A_30 : vector<1x128xf32> to vector<128xf32>
    %reduce_sum3A = arith.constant dense<0.000000e+00> : vector<128xf32>
    %reduce_sum3A_32 = vector.multi_reduction <add>, %add3A_25, %reduce_sum3A [0] : vector<1000x128xf32> to vector<128xf32>
    %add3A_33 = arith.addf %get3A_31, %reduce_sum3A_32 : vector<128xf32>
    %swap3A = arith.constant 0 : index
    %swap3A_34 = arith.constant 0 : index
    %swap3A_35 = vector.load %arg6[%swap3A, %swap3A_34] : memref<2x128xf32, #tpu.memory_space<vmem>>, vector<1x128xf32>
    %swap3A_36 = vector.shape_cast %swap3A_35 : vector<1x128xf32> to vector<128xf32>
    %swap3A_37 = vector.shape_cast %add3A_33 : vector<128xf32> to vector<1x128xf32>
    tpu.vector_store %arg6[%swap3A, %swap3A_34], %swap3A_37 {strides = array<i32>} : memref<2x128xf32, #tpu.memory_space<vmem>>, vector<1x128xf32>,
    %get3A_38 = arith.constant 1 : index
    %get3A_39 = arith.constant 0 : index
    %get3A_40 = vector.load %arg6[%get3A_38, %get3A_39] : memref<2x128xf32, #tpu.memory_space<vmem>>, vector<1x128xf32>
    %get3A_41 = vector.shape_cast %get3A_40 : vector<1x128xf32> to vector<128xf32>
    %mul3A_42 = arith.mulf %add3A_25, %add3A_25 : vector<1000x128xf32>
    %reduce_sum3A_43 = arith.constant dense<0.000000e+00> : vector<128xf32>
    %reduce_sum3A_44 = vector.multi_reduction <add>, %mul3A_42, %reduce_sum3A_43 [0] : vector<1000x128xf32> to vector<128xf32>
    %add3A_45 = arith.addf %get3A_41, %reduce_sum3A_44 : vector<128xf32>
    %swap3A_46 = arith.constant 1 : index
    %swap3A_47 = arith.constant 0 : index
    %swap3A_48 = vector.load %arg6[%swap3A_46, %swap3A_47] : memref<2x128xf32, #tpu.memory_space<vmem>>, vector<1x128xf32>
    %swap3A_49 = vector.shape_cast %swap3A_48 : vector<1x128xf32> to vector<128xf32>
    %swap3A_50 = vector.shape_cast %add3A_45 : vector<128xf32> to vector<1x128xf32>
    tpu.vector_store %arg6[%swap3A_46, %swap3A_47], %swap3A_50 {strides = array<i32>} : memref<2x128xf32, #tpu.memory_space<vmem>>, vector<1x128xf32>,
    %eq3A_51 = arith.constant 9 : i32
    %eq3A_52 = arith.cmpi eq, %arg0, %eq3A_51 : i32
    %convert_element_type3A_53 = arith.extui %eq3A_52 : i1 to i32
    %cond3A_54 = arith.constant 0 : i32
    %cond3A_55 = arith.cmpi ne, %convert_element_type3A_53, %cond3A_54 : i32
    scf.if %cond3A_55 {
      %get3A_56 = arith.constant 0 : index
      %get3A_57 = arith.constant 0 : index
      %get3A_58 = vector.load %arg6[%get3A_56, %get3A_57] : memref<2x128xf32, #tpu.memory_space<vmem>>, vector<1x128xf32>
      %get3A_59 = vector.shape_cast %get3A_58 : vector<1x128xf32> to vector<128xf32>
      %mul3A_60 = arith.constant 9.99999974E-5 : f32
      %mul3A_61 = vector.broadcast %mul3A_60 : f32 to vector<128xf32>
      %mul3A_62 = arith.mulf %get3A_59, %mul3A_61 : vector<128xf32>
      %get3A_63 = arith.constant 1 : index
      %get3A_64 = arith.constant 0 : index
      %get3A_65 = vector.load %arg6[%get3A_63, %get3A_64] : memref<2x128xf32, #tpu.memory_space<vmem>>, vector<1x128xf32>
      %get3A_66 = vector.shape_cast %get3A_65 : vector<1x128xf32> to vector<128xf32>
      %mul3A_67 = arith.constant 9.99999974E-5 : f32
      %mul3A_68 = vector.broadcast %mul3A_67 : f32 to vector<128xf32>
      %mul3A_69 = arith.mulf %get3A_66, %mul3A_68 : vector<128xf32>
      %mul3A_70 = arith.mulf %mul3A_62, %mul3A_62 : vector<128xf32>
      %sub3A = arith.subf %mul3A_69, %mul3A_70 : vector<128xf32>
      %swap3A_71 = arith.constant 0 : index
      %swap3A_72 = arith.constant 0 : index
      %swap3A_73 = vector.load %arg5[%swap3A_71, %swap3A_72] : memref<2x128xf32, #tpu.memory_space<vmem>>, vector<1x128xf32>
      %swap3A_74 = vector.shape_cast %swap3A_73 : vector<1x128xf32> to vector<128xf32>
      %swap3A_75 = vector.shape_cast %mul3A_62 : vector<128xf32> to vector<1x128xf32>
      tpu.vector_store %arg5[%swap3A_71, %swap3A_72], %swap3A_75 {strides = array<i32>} : memref<2x128xf32, #tpu.memory_space<vmem>>, vector<1x128xf32>,
      %add3A_76 = arith.constant 9.99999974E-6 : f32
      %add3A_77 = vector.broadcast %add3A_76 : f32 to vector<128xf32>
      %add3A_78 = arith.addf %sub3A, %add3A_77 : vector<128xf32>
      %rsqrt3A_79 = math.rsqrt %add3A_78 : vector<128xf32>
      %swap3A_80 = arith.constant 1 : index
      %swap3A_81 = arith.constant 0 : index
      %swap3A_82 = vector.load %arg5[%swap3A_80, %swap3A_81] : memref<2x128xf32, #tpu.memory_space<vmem>>, vector<1x128xf32>
      %swap3A_83 = vector.shape_cast %swap3A_82 : vector<1x128xf32> to vector<128xf32>
      %swap3A_84 = vector.shape_cast %rsqrt3A_79 : vector<128xf32> to vector<1x128xf32>
      tpu.vector_store %arg5[%swap3A_80, %swap3A_81], %swap3A_84 {strides = array<i32>} : memref<2x128xf32, #tpu.memory_space<vmem>>, vector<1x128xf32>,
    } else {
    }
    return
  }
  func.func @transform_0(%arg0: i32) -> (i32, i32, i32) {
    %c0_i32 = arith.constant 0 : i32
    %c0_i32_0 = arith.constant 0 : i32
    %c0_i32_1 = arith.constant 0 : i32
    return %c0_i32, %arg0, %c0_i32_0 : i32, i32, i32
  }
  func.func @transform_1(%arg0: i32) -> (i32, i32) {
    %c0_i32 = arith.constant 0 : i32
    %c0_i32_0 = arith.constant 0 : i32
    return %arg0, %c0_i32 : i32, i32
  }
  func.func @transform_2(%arg0: i32) -> (i32, i32) {
    %c0_i32 = arith.constant 0 : i32
    %c0_i32_0 = arith.constant 0 : i32
    return %arg0, %c0_i32 : i32, i32
  }
  func.func @transform_3(%arg0: i32) -> i32 {
    %c0_i32 = arith.constant 0 : i32
    %c0_i32_0 = arith.constant 0 : i32
    return %c0_i32 : i32
  }
  func.func @transform_4(%arg0: i32) -> (i32, i32) {
    %c0_i32 = arith.constant 0 : i32
    %c0_i32_0 = arith.constant 0 : i32
    %c0_i32_1 = arith.constant 0 : i32
    return %c0_i32, %c0_i32_0 : i32, i32
  }
}

module attributes {stable_mosaic.version = 14 : i64} {
  func.func @_norm_body(%arg0: i32, %arg1: memref<2x1000x128xf32, #tpu.memory_space<vmem>>, %arg2: memref<1000x128xf32, #tpu.memory_space<vmem>>, %arg3: memref<1000x16xf32, #tpu.memory_space<vmem>>, %arg4: memref<128xf32, #tpu.memory_space<vmem>>, %arg5: memref<2x128xf32, #tpu.memory_space<vmem>>, %arg6: memref<128xf32, #tpu.memory_space<vmem>>, %arg7: memref<128xf32, #tpu.memory_space<vmem>>, %arg8: memref<1000x128xf32, #tpu.memory_space<vmem>>) attributes {dimension_semantics = [#tpu.dimension_semantics<arbitrary>], iteration_bounds = array<i64: 10>, scalar_prefetch = 0 : i64, scratch_operands = 0 : i64, tpu.core_type = #tpu.core_type<tc>, window_params = [{transform_indices = @transform_0, window_bounds = array<i64: 2, 1000, 128>}, {transform_indices = @transform_1, window_bounds = array<i64: 1000, 128>}, {transform_indices = @transform_2, window_bounds = array<i64: 1000, 16>}, {pipeline_mode = #tpu.pipeline_mode<synchronous>, transform_indices = @transform_3, window_bounds = array<i64: 128>}, {pipeline_mode = #tpu.pipeline_mode<synchronous>, transform_indices = @transform_4, window_bounds = array<i64: 2, 128>}, {pipeline_mode = #tpu.pipeline_mode<synchronous>, transform_indices = @transform_5, window_bounds = array<i64: 128>}, {pipeline_mode = #tpu.pipeline_mode<synchronous>, transform_indices = @transform_6, window_bounds = array<i64: 128>}, {transform_indices = @transform_7, window_bounds = array<i64: 1000, 128>}]} {
    %get3A = arith.constant 0 : index
    %get3A_0 = arith.constant 0 : index
    %get3A_1 = vector.load %arg3[%get3A, %get3A_0] : memref<1000x16xf32, #tpu.memory_space<vmem>>, vector<1000x1xf32>
    %get3A_2 = vector.shape_cast %get3A_1 : vector<1000x1xf32> to vector<1000xf32>
    %add3A = arith.constant 1.000000e+00 : f32
    %add3A_3 = vector.broadcast %add3A : f32 to vector<1000xf32>
    %add3A_4 = arith.addf %get3A_2, %add3A_3 : vector<1000xf32>
    %rsqrt3A = math.rsqrt %add3A_4 : vector<1000xf32>
    %get3A_5 = arith.constant 0 : index
    %get3A_6 = arith.constant 0 : index
    %get3A_7 = arith.constant 0 : index
    %get3A_8 = vector.load %arg1[%get3A_5, %get3A_6, %get3A_7] : memref<2x1000x128xf32, #tpu.memory_space<vmem>>, vector<1x1000x128xf32>
    %get3A_9 = vector.shape_cast %get3A_8 : vector<1x1000x128xf32> to vector<1000x128xf32>
    %get3A_10 = arith.constant 1 : index
    %get3A_11 = arith.constant 0 : index
    %get3A_12 = arith.constant 0 : index
    %get3A_13 = vector.load %arg1[%get3A_10, %get3A_11, %get3A_12] : memref<2x1000x128xf32, #tpu.memory_space<vmem>>, vector<1x1000x128xf32>
    %get3A_14 = vector.shape_cast %get3A_13 : vector<1x1000x128xf32> to vector<1000x128xf32>
    %add3A_15 = arith.addf %get3A_9, %get3A_14 : vector<1000x128xf32>
    %broadcast_in_dim3A = vector.shape_cast %rsqrt3A : vector<1000xf32> to vector<1000x1xf32>
    %get3A_16 = arith.constant 0 : index
    %get3A_17 = arith.constant 0 : index
    %get3A_18 = vector.load %arg2[%get3A_16, %get3A_17] : memref<1000x128xf32, #tpu.memory_space<vmem>>, vector<1000x128xf32>
    %add3A_19 = arith.addf %add3A_15, %get3A_18 : vector<1000x128xf32>
    %mul3A = vector.broadcast %broadcast_in_dim3A : vector<1000x1xf32> to vector<1000x128xf32>
    %mul3A_20 = arith.mulf %mul3A, %add3A_19 : vector<1000x128xf32>
    %get3A_21 = arith.constant 0 : index
    %get3A_22 = vector.load %arg4[%get3A_21] : memref<128xf32, #tpu.memory_space<vmem>>, vector<128xf32>
    %broadcast_in_dim3A_23 = vector.shape_cast %get3A_22 : vector<128xf32> to vector<1x128xf32>
    %add3A_24 = vector.broadcast %broadcast_in_dim3A_23 : vector<1x128xf32> to vector<1000x128xf32>
    %add3A_25 = arith.addf %mul3A_20, %add3A_24 : vector<1000x128xf32>
    %get3A_26 = arith.constant 0 : index
    %get3A_27 = arith.constant 0 : index
    %get3A_28 = vector.load %arg5[%get3A_26, %get3A_27] : memref<2x128xf32, #tpu.memory_space<vmem>>, vector<1x128xf32>
    %get3A_29 = vector.shape_cast %get3A_28 : vector<1x128xf32> to vector<128xf32>
    %broadcast_in_dim3A_30 = vector.shape_cast %get3A_29 : vector<128xf32> to vector<1x128xf32>
    %sub3A = vector.broadcast %broadcast_in_dim3A_30 : vector<1x128xf32> to vector<1000x128xf32>
    %sub3A_31 = arith.subf %add3A_25, %sub3A : vector<1000x128xf32>
    %get3A_32 = arith.constant 1 : index
    %get3A_33 = arith.constant 0 : index
    %get3A_34 = vector.load %arg5[%get3A_32, %get3A_33] : memref<2x128xf32, #tpu.memory_space<vmem>>, vector<1x128xf32>
    %get3A_35 = vector.shape_cast %get3A_34 : vector<1x128xf32> to vector<128xf32>
    %broadcast_in_dim3A_36 = vector.shape_cast %get3A_35 : vector<128xf32> to vector<1x128xf32>
    %mul3A_37 = vector.broadcast %broadcast_in_dim3A_36 : vector<1x128xf32> to vector<1000x128xf32>
    %mul3A_38 = arith.mulf %sub3A_31, %mul3A_37 : vector<1000x128xf32>
    %get3A_39 = arith.constant 0 : index
    %get3A_40 = vector.load %arg6[%get3A_39] : memref<128xf32, #tpu.memory_space<vmem>>, vector<128xf32>
    %broadcast_in_dim3A_41 = vector.shape_cast %get3A_40 : vector<128xf32> to vector<1x128xf32>
    %mul3A_42 = vector.broadcast %broadcast_in_dim3A_41 : vector<1x128xf32> to vector<1000x128xf32>
    %mul3A_43 = arith.mulf %mul3A_38, %mul3A_42 : vector<1000x128xf32>
    %get3A_44 = arith.constant 0 : index
    %get3A_45 = vector.load %arg7[%get3A_44] : memref<128xf32, #tpu.memory_space<vmem>>, vector<128xf32>
    %broadcast_in_dim3A_46 = vector.shape_cast %get3A_45 : vector<128xf32> to vector<1x128xf32>
    %add3A_47 = vector.broadcast %broadcast_in_dim3A_46 : vector<1x128xf32> to vector<1000x128xf32>
    %add3A_48 = arith.addf %mul3A_43, %add3A_47 : vector<1000x128xf32>
    %max3A = arith.constant 0.000000e+00 : f32
    %max3A_49 = vector.broadcast %max3A : f32 to vector<1000x128xf32>
    %max3A_50 = arith.maximumf %add3A_48, %max3A_49 : vector<1000x128xf32>
    %swap3A = arith.constant 0 : index
    %swap3A_51 = arith.constant 0 : index
    %swap3A_52 = vector.load %arg8[%swap3A, %swap3A_51] : memref<1000x128xf32, #tpu.memory_space<vmem>>, vector<1000x128xf32>
    tpu.vector_store %arg8[%swap3A, %swap3A_51], %max3A_50 {strides = array<i32>} : memref<1000x128xf32, #tpu.memory_space<vmem>>, vector<1000x128xf32>,
    return
  }
  func.func @transform_0(%arg0: i32) -> (i32, i32, i32) {
    %c0_i32 = arith.constant 0 : i32
    %c0_i32_0 = arith.constant 0 : i32
    %c0_i32_1 = arith.constant 0 : i32
    return %c0_i32, %arg0, %c0_i32_0 : i32, i32, i32
  }
  func.func @transform_1(%arg0: i32) -> (i32, i32) {
    %c0_i32 = arith.constant 0 : i32
    %c0_i32_0 = arith.constant 0 : i32
    return %arg0, %c0_i32 : i32, i32
  }
  func.func @transform_2(%arg0: i32) -> (i32, i32) {
    %c0_i32 = arith.constant 0 : i32
    %c0_i32_0 = arith.constant 0 : i32
    return %arg0, %c0_i32 : i32, i32
  }
  func.func @transform_3(%arg0: i32) -> i32 {
    %c0_i32 = arith.constant 0 : i32
    %c0_i32_0 = arith.constant 0 : i32
    return %c0_i32 : i32
  }
  func.func @transform_4(%arg0: i32) -> (i32, i32) {
    %c0_i32 = arith.constant 0 : i32
    %c0_i32_0 = arith.constant 0 : i32
    %c0_i32_1 = arith.constant 0 : i32
    return %c0_i32, %c0_i32_0 : i32, i32
  }
  func.func @transform_5(%arg0: i32) -> i32 {
    %c0_i32 = arith.constant 0 : i32
    %c0_i32_0 = arith.constant 0 : i32
    return %c0_i32 : i32
  }
  func.func @transform_6(%arg0: i32) -> i32 {
    %c0_i32 = arith.constant 0 : i32
    %c0_i32_0 = arith.constant 0 : i32
    return %c0_i32 : i32
  }
  func.func @transform_7(%arg0: i32) -> (i32, i32) {
    %c0_i32 = arith.constant 0 : i32
    %c0_i32_0 = arith.constant 0 : i32
    return %arg0, %c0_i32 : i32, i32
  }
}

</mosaic_0001>

<sc_bundles>
// kernel: kernel.11.cloned.1.call-start
scs
__scs_entry_jumppad:
0x0: {  	(pc) =	sbr.rel $0x88, $3  }
0x1: {  	(tag) =	ssettag $0x0;
	lr =	simm.s32 $0x1  }
0x2: {  	[smem:$0x3F9B] =	sst lr;
	_ =	strace $0xD0000000  }
0x3: {  	_ = 	snop  }
0x4: {  	_ = 	snop  }
0x5: {  	_ = 	snop  }
0x6: {  	_ = 	snop  }
0x7: {  	_ = 	snop  }
__scs_overlays_trampoline_lowered:
0x8: {  	[smem:$0x3FAA] =	sst s0  }
0x9: {  	[smem:$0x3FAB] =	sst s1  }
0xa: {  	[smem:$0x3FAC] =	sst s2  }
0xb: {  	[smem:$0x3FAD] =	sst s3  }
0xc: {  	[smem:$0x3FAE] =	sst s4  }
0xd: {  	[smem:$0x3FAF] =	sst s5  }
0xe: {  	[smem:$0x3FB0] =	sst s6  }
0xf: {  	[smem:$0x3FB1] =	sst s7  }
0x10: {  	[smem:$0x3FB2] =	sst s8  }
0x11: {  	[smem:$0x3FB3] =	sst s9;
	s0 =	simm.s32 @!p0 $0x0  }
0x12: {  	s1 =	sld [smem:$0x3F99];
	s0 =	simm.s32 @p0 $0x1  }
0x13: {  	[smem:$0x3FB4] =	sst s0;
	s0 =	simm.s32 @!p1 $0x0  }
0x14: {  	s2 =	sld [smem:$0x3F98];
	s0 =	simm.s32 @p1 $0x1  }
0x15: {  	[smem:$0x3FB5] =	sst s0;
	s0 =	simm.s32 @!p2 $0x0  }
0x16: {  	s3 =	sld [smem:$0x3FDB];
	s0 =	simm.s32 @p2 $0x1  }
0x17: {  	s4 =	simm.s32 $0x1BF5;
	[smem:$0x3FB7] =	sst s0  }
0x18: {  	s0 =	sld [smem:$0x3F9A];
	_ =	swait.ge [sflag:s4], $0x0  }
0x19: {  	s7 =	sld [smem:$0x3F9B]  }
0x1a: {  	s8 =	sadd.s32 $0xFFFFE003, lr  }
0x1b: {  	s9 =	sadd.s32 $0xFFFFFEF7, lr;
	s5 =	simm.s32 $0xFFFFFFFF;
	p2 =	slt.u32 s8, $0xFFFFF086  }
0x1c: {  	p1 =	slt.u32 s9, $0xF7A;
	s5 =	simm.s32 @!p2 $0x0  }
0x1d: {  	s5 =	simm.s32 @p1 $0x1;
	p0 =	seq.s32 s7, s2  }
0x1e: {  	s7 =	smul.u32 @!p0 $0xF7A, s2;
	p2 =	seq.s32 @!p0 s5, $0x0  }
0x1f: {  	s9 =	smul.u32 $0xF7A, s1;
	s8 =	simm.s32 @!p0 $0x1BF5;
	p2 =	por !p2, p0  }
0x20: {  	[sflag:s8] =	ssyncset.s32 @!p0 $0xFFFFF086;
	s6 =	sadd.s32 @!p0 s3, s7;
	s7 =	simm.s32 @!p0 $0x108  }
0x21: {  	s3 =	sadd.s32 s3, s9;
	s6 =	sadd.s32 @!p0 $0x88, s6;
	s7 =	simm.s32 @p2 $0x1082  }
0x22: {  	[simem:s7], [sflag:s8] =	dma.local @!p0 [hbm:s6], $0xF7A  }
0x23: {  	s9 =	sor.u32 $0xD0000000, s2;
	s6 =	simm.s32 $0x108;
	_ =	swait.ge @!p0 [sflag:s8], $0x0  }
0x24: {  	s3 =	sadd.s32 $0x88, s3;
	s6 =	simm.s32 @!p1 $0x1082;
	[sflag:s4] =	ssyncset.s32 $0xFFFFF086  }
0x25: {  	[simem:s6], [sflag:s4] =	dma.local [hbm:s3], $0xF7A  }
0x26: {  	[smem:$0x3F9B] =	sst s1;
	(tag) =	ssettag s2;
	_ =	strace s9  }
0x27: {  	s1 =	sld [smem:$0x3FAB]  }
0x28: {  	s2 =	sld [smem:$0x3FAC]  }
0x29: {  	s4 =	sld [smem:$0x3FAE]  }
0x2a: {  	p0 =	seq.s32 s5, $0x0;
	s5 =	sld [smem:$0x3FAF]  }
0x2b: {  	s6 =	sld [smem:$0x3FB0]  }
0x2c: {  	s7 =	sld [smem:$0x3FB1]  }
0x2d: {  	s3 =	simm.s32 $0x108;
	s8 =	sld [smem:$0x3FB2]  }
0x2e: {  	s3 =	simm.s32 @!p0 $0x1082;
	s9 =	sld [smem:$0x3FB3]  }
0x2f: {  	lr =	sadd.s32 s0, s3;
	s0 =	sld [smem:$0x3FAA]  }
0x30: {  	s3 =	sld [smem:$0x3FAD]  }
0x31: {  	[smem:$0x3FB6] =	sst s10  }
0x32: {  	s10 =	sld [smem:$0x3FB4];
	_ =	sdelay $0x3  }
0x33: {  	p0 =	seq.s32 s10, $0x1;
	s10 =	sld [smem:$0x3FB6];
	_ =	sdelay $0x3  }
0x34: {  	[smem:$0x3FB6] =	sst s10  }
0x35: {  	s10 =	sld [smem:$0x3FB5];
	_ =	sdelay $0x3  }
0x36: {  	p1 =	seq.s32 s10, $0x1;
	s10 =	sld [smem:$0x3FB6];
	_ =	sdelay $0x3  }
0x37: {  	[smem:$0x3FB6] =	sst s10  }
0x38: {  	s10 =	sld [smem:$0x3FB7]  }
0x39: {  	_ = 	snop;
	(pc) =	sbr.ind lr, $3  }
0x3a: {  	_ = 	snop  }
0x3b: {  	_ = 	snop  }
0x3c: {  	p2 =	seq.s32 s10, $0x1;
	s10 =	sld [smem:$0x3FB6]  }
0x3d: {  	_ =	shalt  }
0x3e: {  	_ =	shalt  }
0x3f: {  	_ =	shalt  }
0x40: {  	_ =	shalt  }
0x41: {  	_ =	shalt  }
0x42: {  	_ =	shalt  }
0x43: {  	_ =	shalt  }
0x44: {  	_ =	shalt  }
0x45: {  	_ =	shalt  }
0x46: {  	_ =	shalt  }
0x47: {  	_ =	shalt  }
0x48: {  	_ =	shalt  }
0x49: {  	_ =	shalt  }
0x4a: {  	_ =	shalt  }
0x4b: {  	_ =	shalt  }
0x4c: {  	_ =	shalt  }
0x4d: {  	_ =	shalt  }
0x4e: {  	_ =	shalt  }
0x4f: {  	_ =	shalt  }
0x50: {  	_ =	shalt  }
0x51: {  	_ =	shalt  }
0x52: {  	_ =	shalt  }
0x53: {  	_ =	shalt  }
0x54: {  	_ =	shalt  }
0x55: {  	_ =	shalt  }
0x56: {  	_ =	shalt  }
0x57: {  	_ =	shalt  }
0x58: {  	_ =	shalt  }
0x59: {  	_ =	shalt  }
0x5a: {  	_ =	shalt  }
0x5b: {  	_ =	shalt  }
0x5c: {  	_ =	shalt  }
0x5d: {  	_ =	shalt  }
0x5e: {  	_ =	shalt  }
0x5f: {  	_ =	shalt  }
0x60: {  	_ =	shalt  }
0x61: {  	_ =	shalt  }
0x62: {  	_ =	shalt  }
0x63: {  	_ =	shalt  }
0x64: {  	_ =	shalt  }
0x65: {  	_ =	shalt  }
0x66: {  	_ =	shalt  }
0x67: {  	_ =	shalt  }
0x68: {  	_ =	shalt  }
0x69: {  	_ =	shalt  }
0x6a: {  	_ =	shalt  }
0x6b: {  	_ =	shalt  }
0x6c: {  	_ =	shalt  }
0x6d: {  	_ =	shalt  }
0x6e: {  	_ =	shalt  }
0x6f: {  	_ =	shalt  }
0x70: {  	_ =	shalt  }
0x71: {  	_ =	shalt  }
0x72: {  	_ =	shalt  }
0x73: {  	_ =	shalt  }
0x74: {  	_ =	shalt  }
0x75: {  	_ =	shalt  }
0x76: {  	_ =	shalt  }
0x77: {  	_ =	shalt  }
0x78: {  	_ =	shalt  }
0x79: {  	_ =	shalt  }
0x7a: {  	_ =	shalt  }
0x7b: {  	_ =	shalt  }
0x7c: {  	_ =	shalt  }
0x7d: {  	_ =	shalt  }
0x7e: {  	_ =	shalt  }
0x7f: {  	_ =	shalt  }
0x80: {  	_ =	shalt  }
0x81: {  	_ =	shalt  }
0x82: {  	_ =	shalt  }
0x83: {  	_ =	shalt  }
0x84: {  	_ =	shalt  }
0x85: {  	_ =	shalt  }
0x86: {  	_ =	shalt  }
0x87: {  	_ =	shalt  }
.Lfunc_end0:
.L_simem_size_0:
called_computation.1_lowered:
.L_overlay_start_0:
0x88: {  	s2 =	sld [smem:$0x3FD9]  }
0x89: {  	s3 =	sld [smem:$0x3FFE];
	_ =	sdelay $0x1  }
0x8a: {  	s1 =	srdreg.scid  }
0x8b: {  	s0 =	sand.u32 $0x1, s1  }
0x8c: {  	s17 =	sshll.u32 s0, $0xA;
	s2 =	sadd.s32 s3, s2  }
0x8d: {  	s2 =	sadd.s32 s2, s17  }
0x8e: {  	[smem:$0x3FC2] =	sst s2  }
0x8f: {  	_ = 	snop  }
0x90: {  	s2 =	sld [smem:$0x3FD0];
	(tm) =	ssettm $0x1  }
0x91: {  	s18 =	sld [smem:$0x3FFB];
	_ =	sdelay $0x3  }
0x92: {  	_ =	strace s18  }
0x93: {  	s3 =	sld [smem:$0x3FFC];
	_ =	sdelay $0x3  }
0x94: {  	_ =	strace s3  }
0x95: {  	s3 =	sld [smem:$0x3FFD];
	_ =	sdelay $0x3  }
0x96: {  	_ =	strace s3  }
0x97: {  	_ =	strace $0x8FFFFFFF  }
0x98: {  	s19 =	sld [smem:$0x3FDB];
	_ =	sdelay $0x1  }
0x99: {  	s4 =	simm.s32 $_scs_section_size  }
0x9a: {  	s5 =	simm.s32 $_size__tile_overlayer_lowered;
	s6 =	simm.s32 $_tile_overlayer_lowered  }
0x9b: {  	s22 =	simm.s32 $0x1BFF;
	s21 =	sshll.u32 s6, $0x1;
	s3 =	sadd.s32 s4, s19  }
0x9c: {  	s7 =	simm.s32 $0x0;
	s20 =	sshll.u32 s5, $0x1;
	s5 =	sadd.s32 s21, s3  }
0x9d: {  	[timem:s7], [sflag:s22] =	dma.local [hbm:s5], s20  }
0x9e: {  	_ =	swait.ge [sflag:s22], s20  }
0x9f: {  	s4 =	ssub.s32 $0x0, s20;
	[sflag:s22] =	ssyncset.done $0x0  }
0xa0: {  	[sflag:s22] =	ssyncadd.s32 s4;
	_ =	sdelay $0x1  }
0xa1: {  	s23 =	simm.s32 $0x1B8B  }
0xa2: {  	_ =	swait.ge [sflag:s23], $0x1  }
0xa3: {  	[sflag:s23] =	ssyncset.done $0x0  }
0xa4: {  	s25 =	simm.s32 $0x1B8E;
	s24 =	sld [smem:$0x3FFE];
	[sflag:s23] =	ssyncadd.s32 $0xFFFFFFFF  }
0xa5: {  	s26 =	simm.s32 $execute0_lowered;
	[smem:$0x3FD2] =	sst s25  }
0xa6: {  	s5 =	sshll.u32 s26, $0x1;
	_ =	strace $0x80000049;
	[dreg:$0x1] =	wrdreg $0xFFFFFFFF  }
0xa7: {  	s28 =	simm.s32 $_size_execute0_lowered;
	s3 =	sadd.s32 s3, s5;
	[dreg:$0x0] =	wrdreg $0x0  }
0xa8: {  	s5 =	sshll.u32 s28, $0x1;
	[dreg:$0x2] =	wrdreg s3  }
0xa9: {  	[dreg:$0x3] =	wrdreg s5  }
0xaa: {  	[dreg:$0x4] =	wrdreg $0xC0  }
0xab: {  	_ =	task [dreg:s7], $0x5FFFF  }
0xac: {  	[dreg:$0x1] =	wrdreg $0xFFFFFFFF  }
0xad: {  	[dreg:$0x0] =	wrdreg $0x60  }
0xae: {  	[dreg:$0x2] =	wrdreg s24  }
0xaf: {  	[dreg:$0x3] =	wrdreg s2  }
0xb0: {  	[dreg:$0x4] =	wrdreg $0xA8000  }
0xb1: {  	[dreg:$0x5] =	wrdreg $0x9  }
0xb2: {  	_ =	task.clear_ibuf [dreg:s7], $0x6FFFF;
	_ =	strace $0x90000049  }
0xb3: {  	s29 =	simm.s32 $0x9;
	_ =	strace $0x8000004B  }
0xb4: {  	_ =	swait.ge [sflag:s29], $0x1  }
0xb5: {  	[sflag:s29] =	ssyncadd.s32 $0xFFFFFFFF  }
0xb6: {  	_ =	strace $0x9000004B  }
0xb7: {  	_ =	sfence  }
0xb8: {  	s30 =	sld [smem:$0x0];
	_ =	sdelay $0x2  }
0xb9: {  	s31 =	sshll.u32 s1, $0xD;
	s1 =	sshrl.u32 s1, $0x2  }
0xba: {  	s3 =	sand.u32 $0x4000, s31;
	s1 =	sadd.s32 s1, s30  }
0xbb: {  	s0 =	sor.u32 s3, s0;
	s1 =	sshll.u32 s1, $0x11  }
0xbc: {  	s0 =	sor.u32 s1, s0  }
0xbd: {  	s0 =	sadd.s32 $0x8F2B, s0  }
0xbe: {  	[sflag:s0] =	ssyncadd.remote.s32 $0x1  }
0xbf: {  	_ =	sfence.sel $0xFFFF  }
0xc0: {  	[dreg:$0x0] =	wrdreg $0xFFFFFFFF;
	(pc) =	sbr.abs _section_cstart, $3  }
0xc1: {  	[dreg:$0x1] =	wrdreg $0xFFFFFFFF  }
0xc2: {  	_ =	task.clear_ibuf [dreg:s7], $0x2FFFF;
	_ =	strace $0x9FFFFFFF  }
0xc3: {  	(tm) =	ssettm $0x7FFFFFFF  }
tec
execute0_lowered:
.L_overlay_start_1:
0x0: {  	(tag) =	ssettag $0x1  }
0x1: {  	s5 =	rddreg [dreg:$0x0]  }
0x2: {  	s1 =	rddreg [dreg:$0x1]  }
0x3: {  	s3 =	rddreg [dreg:$0x2]  }
0x4: {  	s0 =	rddreg [dreg:$0x3]  }
0x5: {  	s6 =	srdreg.scid;
	s4 =	simm.s32 $0x0;
	s2 =	stileid.u32  }
0x6: {  	s14 =	simm.s32 $0x50;
	s15 =	simm.s32 $0x8000;
	s16 =	simm.s32 $0x0  }
0x7: {  	s6 =	sand.u32 $0x1, s6;
	s7 =	sshll.u32 s2, $0xC;
	s9 =	smul.u32 $0x13C00, s2  }
0x8: {  	[smem:$0x7FF] =	sst s4;
	s11 =	smul.u32 $0x4F000, s2;
	s12 =	sshll.u32 s2, $0x6  }
0x9: {  	s8 =	sshll.u32 s6, $0xB;
	s29 =	smul.u32 $0x13C000, s6;
	_ =	strace $0x8000004A  }
0xa: {  	s6 =	ssub.s32 $0x2, s6;
	s12 =	sor.u32 $0x1C01, s12;
	s7 =	sor.u32 s8, s7  }
0xb: {  	s10 =	sshrl.u32 s9, $0x3;
	s30 =	sshrl.u32 s6, $0x1;
	s31 =	sshrl.u32 s11, $0x2  }
0xc: {  	s11 =	simm.s32 $0x4000;
	s7 =	sadd.s32 s7, s5;
	s8 =	sadd.s32 s9, s29  }
0xd: {  	s10 =	sadd.s32 s10, s5;
	s9 =	ssub.s32 s6, s30;
	s13 =	sadd.s32 s31, s3  }
0xe: {  	s8 =	sshrl.u32 s8, $0x3;
	s6 =	sadd.s32 $0x1800, s7;
	s9 =	smax.u32 s9, $0x1  }
0xf: {  	s13 =	sshrl.u32 s13, $0x3;
	s8 =	sadd.s32 s8, s5;
	s5 =	sadd.s32 $0x11800, s7  }
0x10: {  	s7 =	sadd.s32 $0x21800, s10;
	s10 =	simm.s32 $0x1;
	s8 =	sadd.s32 $0x49000, s8  }
.LBB2_1:
0x11: {  	[tilespmem:s4], [sflag:$0x1] =	stream.linear.gather [hbm4b:s5+s4], $0x3E80, $0x38;
	[tilespmem:$0x1E400] =	vst v63  }
0x12: {  	_ =	swait.ge [sflag:s10], $0x3E80  }
0x13: {  	[sflag:s10] =	ssyncset.done $0x0  }
0x14: {  	[sflag:s10] =	ssyncadd.s32 $0xFFFFC180  }
0x15: {  	[tilespmem:s11], [sflag:$0x1] =	stream.linear.gather [hbm4b:s6+s4], $0x3E80, $0x38;
	[tilespmem:$0x1E400] =	vst v63  }
0x16: {  	_ =	swait.ge [sflag:s10], $0x3E80  }
0x17: {  	[sflag:s10] =	ssyncset.done $0x0  }
0x18: {  	[sflag:s10] =	ssyncadd.s32 $0xFFFFC180  }
0x19: {  	[spmem:s13], [sflag:s12] =	dma.local [hbm:s7], $0x2780  }
0x1a: {  	_ =	swait.ge [sflag:s10], $0x2780  }
0x1b: {  	[sflag:s10] =	ssyncset.done $0x0  }
0x1c: {  	[sflag:s10] =	ssyncadd.s32 $0xFFFFD880  }
0x1d: {  	s17 =	simm.s32 $0x0;
	[bflag:$0x0] =	sbarrier.arrive $0xFFFF  }
0x1e: {  	[tilespmem:s15], [sflag:$0x1] =	stream.indirect.gather [hbm4b:s1+s14], $0x80, s17, s14, $0xb8;
	[tilespmem:$0x1E400] =	vst v63  }
0x1f: {  	_ =	swait.ge [sflag:s10], $0x2800  }
0x20: {  	[sflag:s10] =	ssyncset.done $0x0  }
0x21: {  	s31 =	simm.s32 $0x4000;
	[sflag:s10] =	ssyncadd.s32 $0xFFFFD800  }
0x22: {  	[spmem:s3] =	stream.indirect.scatter.add.f32 [tilespmem:s15], [sflag:$0x1], $0x80, s31, s14, $0xb8;
	[tilespmem:$0x1E400] =	vst v63  }
0x23: {  	_ =	swait.ge [sflag:s10], $0x2800  }
0x24: {  	s18 =	simm.s32 $0x400;
	s17 =	simm.s32 $0x200;
	[sflag:s10] =	ssyncset.done $0x0  }
.LBB2_2:
0x25: {  	s19 =	sshra.s32 s17, $0x2  }
0x26: {  	[sflag:s10] =	ssyncadd.s32 $0xFFFFD800;
	s17 =	smov.u32 s18;
	s20 =	sadd.s32 $0x200, s18  }
0x27: {  	[tilespmem:s15], [sflag:$0x1] =	stream.indirect.gather [hbm4b:s1+s14], $0x80, s19, s14, $0xb8;
	[tilespmem:$0x1E400] =	vst v63  }
0x28: {  	p0 =	sne.s32 s18, $0xF800;
	_ =	swait.ge [sflag:s10], $0x2800  }
.Ltmp0:
0x29: {  	[sflag:s10] =	ssyncset.done $0x0;
	(pc) =	sbr.rel @p0 .LBB2_2-.Ltmp0, $4  }
0x2a: {  	s18 =	sadd.s32 $0x4000, s19;
	[sflag:s10] =	ssyncadd.s32 $0xFFFFD800  }
0x2b: {  	[spmem:s3] =	stream.indirect.scatter.add.f32 [tilespmem:s15], [sflag:$0x1], $0x80, s18, s14, $0xb8;
	[tilespmem:$0x1E400] =	vst v63  }
0x2c: {  	_ =	swait.ge [sflag:s10], $0x2800  }
0x2d: {  	s18 =	smov.u32 s20;
	[sflag:s10] =	ssyncset.done $0x0  }
0x2e: {  	s17 =	sshra.s32 s17, $0x2;
	[sflag:s10] =	ssyncadd.s32 $0xFFFFD800  }
0x2f: {  	[tilespmem:s15], [sflag:$0x1] =	stream.indirect.gather [hbm4b:s1+s14], $0x80, s17, s14, $0xb8;
	[tilespmem:$0x1E400] =	vst v63  }
0x30: {  	_ =	swait.ge [sflag:s10], $0x2800  }
0x31: {  	[sflag:s10] =	ssyncset.done $0x0  }
0x32: {  	s17 =	sadd.s32 $0x4000, s17;
	[sflag:s10] =	ssyncadd.s32 $0xFFFFD800  }
0x33: {  	[spmem:s3] =	stream.indirect.scatter.add.f32 [tilespmem:s15], [sflag:$0x1], $0x80, s17, s14, $0xb8;
	[tilespmem:$0x1E400] =	vst v63  }
0x34: {  	_ =	swait.ge [sflag:s10], $0x2800  }
0x35: {  	s16 =	sadd.s32 $0x1, s16;
	[sflag:s10] =	ssyncset.done $0x0  }
0x36: {  	p0 =	sne.s32 s16, s9;
	[sflag:s10] =	ssyncadd.s32 $0xFFFFD800  }
.Ltmp1:
0x37: {  	[bflag:$0x0] =	sbarrier.arrive $0xFFFF;
	(pc) =	sbr.rel @p0 .LBB2_1-.Ltmp1, $4  }
0x38: {  	[hbm:s8], [sflag:s12] =	dma.local [spmem:s13], $0x2780  }
0x39: {  	_ =	swait.ge [sflag:s10], $0x2780  }
0x3a: {  	[sflag:s10] =	ssyncset.done $0x0  }
0x3b: {  	[sflag:s10] =	ssyncadd.s32 $0xFFFFD880  }
0x3c: {  	_ =	sfence.sel $0x180000  }
0x3d: {  	[bflag:$0x0] =	sbarrier.arrive $0xFFFF  }
0x3e: {  	p0 =	sne.s32 s2, $0x0;
	_ =	strace $0x9000004A  }
0x3f: {  	s0 =	sadd.s32 @!p0 $0x100000, s0;
	[bflag:$0x2] =	sbarrier.arrive $0xFFFF  }
0x40: {  	[sflag:s0] =	ssyncadd.tile.s32 @!p0 $0x1;
	_ =	shalt  }
.Lfunc_end2:
_tile_overlayer_lowered:
.L_overlay_start_2:
0x41: {  	(tag) =	ssettag $0x2  }
0x42: {  	s0 =	rddreg [dreg:$0x0];
	s2 =	stileid.u32  }
0x43: {  	s1 =	rddreg [dreg:$0x1];
	p0 =	sne.s32 s2, $0x0  }
0x44: {  	s3 =	rddreg [dreg:$0x2];
	[bflag:$0x3] =	sbarrier.arrive $0xFFFF;
	s2 =	simm.s32 @!p0 $0x1C01  }
0x45: {  	[timem:s3], [sflag:s2] =	dma.local @!p0 [hbm:s0], s1  }
0x46: {  	s0 =	simm.s32 @!p0 $0x1  }
0x47: {  	_ =	swait.ge @!p0 [sflag:s0], s1  }
0x48: {  	s1 =	ssub.s32 @!p0 $0x0, s1;
	[sflag:s0] =	ssyncset.done @!p0 $0x0  }
0x49: {  	[sflag:s0] =	ssyncadd.s32 @!p0 s1  }
0x4a: {  	[bflag:$0x3] =	sbarrier.arrive $0xFFFF  }
0x4b: {  	_ =	shalt  }

// kernel: kernel.8.cloned.1.call-start
scs
__scs_entry_jumppad:
0x0: {  	(pc) =	sbr.rel $0x88, $3  }
0x1: {  	(tag) =	ssettag $0x0;
	lr =	simm.s32 $0x1  }
0x2: {  	[smem:$0x3F9B] =	sst lr;
	_ =	strace $0xD0000000  }
0x3: {  	_ = 	snop  }
0x4: {  	_ = 	snop  }
0x5: {  	_ = 	snop  }
0x6: {  	_ = 	snop  }
0x7: {  	_ = 	snop  }
__scs_overlays_trampoline_lowered:
0x8: {  	[smem:$0x3FAA] =	sst s0  }
0x9: {  	[smem:$0x3FAB] =	sst s1  }
0xa: {  	[smem:$0x3FAC] =	sst s2  }
0xb: {  	[smem:$0x3FAD] =	sst s3  }
0xc: {  	[smem:$0x3FAE] =	sst s4  }
0xd: {  	[smem:$0x3FAF] =	sst s5  }
0xe: {  	[smem:$0x3FB0] =	sst s6  }
0xf: {  	[smem:$0x3FB1] =	sst s7  }
0x10: {  	[smem:$0x3FB2] =	sst s8  }
0x11: {  	[smem:$0x3FB3] =	sst s9;
	s0 =	simm.s32 @!p0 $0x0  }
0x12: {  	s1 =	sld [smem:$0x3F99];
	s0 =	simm.s32 @p0 $0x1  }
0x13: {  	[smem:$0x3FB4] =	sst s0;
	s0 =	simm.s32 @!p1 $0x0  }
0x14: {  	s2 =	sld [smem:$0x3F98];
	s0 =	simm.s32 @p1 $0x1  }
0x15: {  	[smem:$0x3FB5] =	sst s0;
	s0 =	simm.s32 @!p2 $0x0  }
0x16: {  	s3 =	sld [smem:$0x3FDB];
	s0 =	simm.s32 @p2 $0x1  }
0x17: {  	s4 =	simm.s32 $0x1BF5;
	[smem:$0x3FB7] =	sst s0  }
0x18: {  	s0 =	sld [smem:$0x3F9A];
	_ =	swait.ge [sflag:s4], $0x0  }
0x19: {  	s7 =	sld [smem:$0x3F9B]  }
0x1a: {  	s8 =	sadd.s32 $0xFFFFE003, lr  }
0x1b: {  	s9 =	sadd.s32 $0xFFFFFEF7, lr;
	s5 =	simm.s32 $0xFFFFFFFF;
	p2 =	slt.u32 s8, $0xFFFFF086  }
0x1c: {  	p1 =	slt.u32 s9, $0xF7A;
	s5 =	simm.s32 @!p2 $0x0  }
0x1d: {  	s5 =	simm.s32 @p1 $0x1;
	p0 =	seq.s32 s7, s2  }
0x1e: {  	s7 =	smul.u32 @!p0 $0xF7A, s2;
	p2 =	seq.s32 @!p0 s5, $0x0  }
0x1f: {  	s9 =	smul.u32 $0xF7A, s1;
	s8 =	simm.s32 @!p0 $0x1BF5;
	p2 =	por !p2, p0  }
0x20: {  	[sflag:s8] =	ssyncset.s32 @!p0 $0xFFFFF086;
	s6 =	sadd.s32 @!p0 s3, s7;
	s7 =	simm.s32 @!p0 $0x108  }
0x21: {  	s3 =	sadd.s32 s3, s9;
	s6 =	sadd.s32 @!p0 $0x88, s6;
	s7 =	simm.s32 @p2 $0x1082  }
0x22: {  	[simem:s7], [sflag:s8] =	dma.local @!p0 [hbm:s6], $0xF7A  }
0x23: {  	s9 =	sor.u32 $0xD0000000, s2;
	s6 =	simm.s32 $0x108;
	_ =	swait.ge @!p0 [sflag:s8], $0x0  }
0x24: {  	s3 =	sadd.s32 $0x88, s3;
	s6 =	simm.s32 @!p1 $0x1082;
	[sflag:s4] =	ssyncset.s32 $0xFFFFF086  }
0x25: {  	[simem:s6], [sflag:s4] =	dma.local [hbm:s3], $0xF7A  }
0x26: {  	[smem:$0x3F9B] =	sst s1;
	(tag) =	ssettag s2;
	_ =	strace s9  }
0x27: {  	s1 =	sld [smem:$0x3FAB]  }
0x28: {  	s2 =	sld [smem:$0x3FAC]  }
0x29: {  	s4 =	sld [smem:$0x3FAE]  }
0x2a: {  	p0 =	seq.s32 s5, $0x0;
	s5 =	sld [smem:$0x3FAF]  }
0x2b: {  	s6 =	sld [smem:$0x3FB0]  }
0x2c: {  	s7 =	sld [smem:$0x3FB1]  }
0x2d: {  	s3 =	simm.s32 $0x108;
	s8 =	sld [smem:$0x3FB2]  }
0x2e: {  	s3 =	simm.s32 @!p0 $0x1082;
	s9 =	sld [smem:$0x3FB3]  }
0x2f: {  	lr =	sadd.s32 s0, s3;
	s0 =	sld [smem:$0x3FAA]  }
0x30: {  	s3 =	sld [smem:$0x3FAD]  }
0x31: {  	[smem:$0x3FB6] =	sst s10  }
0x32: {  	s10 =	sld [smem:$0x3FB4];
	_ =	sdelay $0x3  }
0x33: {  	p0 =	seq.s32 s10, $0x1;
	s10 =	sld [smem:$0x3FB6];
	_ =	sdelay $0x3  }
0x34: {  	[smem:$0x3FB6] =	sst s10  }
0x35: {  	s10 =	sld [smem:$0x3FB5];
	_ =	sdelay $0x3  }
0x36: {  	p1 =	seq.s32 s10, $0x1;
	s10 =	sld [smem:$0x3FB6];
	_ =	sdelay $0x3  }
0x37: {  	[smem:$0x3FB6] =	sst s10  }
0x38: {  	s10 =	sld [smem:$0x3FB7]  }
0x39: {  	_ = 	snop;
	(pc) =	sbr.ind lr, $3  }
0x3a: {  	_ = 	snop  }
0x3b: {  	_ = 	snop  }
0x3c: {  	p2 =	seq.s32 s10, $0x1;
	s10 =	sld [smem:$0x3FB6]  }
0x3d: {  	_ =	shalt  }
0x3e: {  	_ =	shalt  }
0x3f: {  	_ =	shalt  }
0x40: {  	_ =	shalt  }
0x41: {  	_ =	shalt  }
0x42: {  	_ =	shalt  }
0x43: {  	_ =	shalt  }
0x44: {  	_ =	shalt  }
0x45: {  	_ =	shalt  }
0x46: {  	_ =	shalt  }
0x47: {  	_ =	shalt  }
0x48: {  	_ =	shalt  }
0x49: {  	_ =	shalt  }
0x4a: {  	_ =	shalt  }
0x4b: {  	_ =	shalt  }
0x4c: {  	_ =	shalt  }
0x4d: {  	_ =	shalt  }
0x4e: {  	_ =	shalt  }
0x4f: {  	_ =	shalt  }
0x50: {  	_ =	shalt  }
0x51: {  	_ =	shalt  }
0x52: {  	_ =	shalt  }
0x53: {  	_ =	shalt  }
0x54: {  	_ =	shalt  }
0x55: {  	_ =	shalt  }
0x56: {  	_ =	shalt  }
0x57: {  	_ =	shalt  }
0x58: {  	_ =	shalt  }
0x59: {  	_ =	shalt  }
0x5a: {  	_ =	shalt  }
0x5b: {  	_ =	shalt  }
0x5c: {  	_ =	shalt  }
0x5d: {  	_ =	shalt  }
0x5e: {  	_ =	shalt  }
0x5f: {  	_ =	shalt  }
0x60: {  	_ =	shalt  }
0x61: {  	_ =	shalt  }
0x62: {  	_ =	shalt  }
0x63: {  	_ =	shalt  }
0x64: {  	_ =	shalt  }
0x65: {  	_ =	shalt  }
0x66: {  	_ =	shalt  }
0x67: {  	_ =	shalt  }
0x68: {  	_ =	shalt  }
0x69: {  	_ =	shalt  }
0x6a: {  	_ =	shalt  }
0x6b: {  	_ =	shalt  }
0x6c: {  	_ =	shalt  }
0x6d: {  	_ =	shalt  }
0x6e: {  	_ =	shalt  }
0x6f: {  	_ =	shalt  }
0x70: {  	_ =	shalt  }
0x71: {  	_ =	shalt  }
0x72: {  	_ =	shalt  }
0x73: {  	_ =	shalt  }
0x74: {  	_ =	shalt  }
0x75: {  	_ =	shalt  }
0x76: {  	_ =	shalt  }
0x77: {  	_ =	shalt  }
0x78: {  	_ =	shalt  }
0x79: {  	_ =	shalt  }
0x7a: {  	_ =	shalt  }
0x7b: {  	_ =	shalt  }
0x7c: {  	_ =	shalt  }
0x7d: {  	_ =	shalt  }
0x7e: {  	_ =	shalt  }
0x7f: {  	_ =	shalt  }
0x80: {  	_ =	shalt  }
0x81: {  	_ =	shalt  }
0x82: {  	_ =	shalt  }
0x83: {  	_ =	shalt  }
0x84: {  	_ =	shalt  }
0x85: {  	_ =	shalt  }
0x86: {  	_ =	shalt  }
0x87: {  	_ =	shalt  }
.Lfunc_end0:
.L_simem_size_0:
called_computation_lowered:
.L_overlay_start_0:
0x88: {  	s2 =	sld [smem:$0x3FD9]  }
0x89: {  	s3 =	sld [smem:$0x3FFE];
	_ =	sdelay $0x1  }
0x8a: {  	s1 =	srdreg.scid  }
0x8b: {  	s0 =	sand.u32 $0x1, s1  }
0x8c: {  	s17 =	sshll.u32 s0, $0xA;
	s2 =	sadd.s32 s3, s2  }
0x8d: {  	s2 =	sadd.s32 s2, s17  }
0x8e: {  	[smem:$0x3FC2] =	sst s2  }
0x8f: {  	_ = 	snop  }
0x90: {  	s2 =	sld [smem:$0x3FD0];
	(tm) =	ssettm $0x1  }
0x91: {  	s18 =	sld [smem:$0x3FFB];
	_ =	sdelay $0x3  }
0x92: {  	_ =	strace s18  }
0x93: {  	s3 =	sld [smem:$0x3FFC];
	_ =	sdelay $0x3  }
0x94: {  	_ =	strace s3  }
0x95: {  	s3 =	sld [smem:$0x3FFD];
	_ =	sdelay $0x3  }
0x96: {  	_ =	strace s3  }
0x97: {  	_ =	strace $0x8FFFFFFF  }
0x98: {  	s19 =	sld [smem:$0x3FDB];
	_ =	sdelay $0x1  }
0x99: {  	s4 =	simm.s32 $_scs_section_size  }
0x9a: {  	s5 =	simm.s32 $_size__tile_overlayer_lowered;
	s6 =	simm.s32 $_tile_overlayer_lowered  }
0x9b: {  	s22 =	simm.s32 $0x1BFF;
	s21 =	sshll.u32 s6, $0x1;
	s3 =	sadd.s32 s4, s19  }
0x9c: {  	s7 =	simm.s32 $0x0;
	s20 =	sshll.u32 s5, $0x1;
	s5 =	sadd.s32 s21, s3  }
0x9d: {  	[timem:s7], [sflag:s22] =	dma.local [hbm:s5], s20  }
0x9e: {  	_ =	swait.ge [sflag:s22], s20  }
0x9f: {  	s4 =	ssub.s32 $0x0, s20;
	[sflag:s22] =	ssyncset.done $0x0  }
0xa0: {  	[sflag:s22] =	ssyncadd.s32 s4;
	_ =	sdelay $0x1  }
0xa1: {  	s23 =	simm.s32 $0x1B8B  }
0xa2: {  	_ =	swait.ge [sflag:s23], $0x1  }
0xa3: {  	[sflag:s23] =	ssyncset.done $0x0  }
0xa4: {  	s25 =	simm.s32 $0x1B8E;
	s24 =	sld [smem:$0x3FFE];
	[sflag:s23] =	ssyncadd.s32 $0xFFFFFFFF  }
0xa5: {  	s26 =	simm.s32 $execute0_lowered;
	[smem:$0x3FD2] =	sst s25  }
0xa6: {  	s5 =	sshll.u32 s26, $0x1;
	_ =	strace $0x80000046;
	[dreg:$0x1] =	wrdreg $0xFFFFFFFF  }
0xa7: {  	s28 =	simm.s32 $_size_execute0_lowered;
	s3 =	sadd.s32 s3, s5;
	[dreg:$0x0] =	wrdreg $0x0  }
0xa8: {  	s5 =	sshll.u32 s28, $0x1;
	[dreg:$0x2] =	wrdreg s3  }
0xa9: {  	[dreg:$0x3] =	wrdreg s5  }
0xaa: {  	[dreg:$0x4] =	wrdreg $0xC0  }
0xab: {  	_ =	task [dreg:s7], $0x5FFFF  }
0xac: {  	[dreg:$0x1] =	wrdreg $0xFFFFFFFF  }
0xad: {  	[dreg:$0x0] =	wrdreg $0x60  }
0xae: {  	[dreg:$0x2] =	wrdreg s24  }
0xaf: {  	[dreg:$0x3] =	wrdreg s2  }
0xb0: {  	[dreg:$0x4] =	wrdreg $0x9  }
0xb1: {  	_ =	task.clear_ibuf [dreg:s7], $0x5FFFF;
	_ =	strace $0x90000046  }
0xb2: {  	s29 =	simm.s32 $0x9;
	_ =	strace $0x80000048  }
0xb3: {  	_ =	swait.ge [sflag:s29], $0x1  }
0xb4: {  	[sflag:s29] =	ssyncadd.s32 $0xFFFFFFFF  }
0xb5: {  	_ =	strace $0x90000048  }
0xb6: {  	_ =	sfence  }
0xb7: {  	s30 =	sld [smem:$0x0];
	_ =	sdelay $0x2  }
0xb8: {  	s31 =	sshll.u32 s1, $0xD;
	s1 =	sshrl.u32 s1, $0x2  }
0xb9: {  	s3 =	sand.u32 $0x4000, s31;
	s1 =	sadd.s32 s1, s30  }
0xba: {  	s0 =	sor.u32 s3, s0;
	s1 =	sshll.u32 s1, $0x11  }
0xbb: {  	s0 =	sor.u32 s1, s0  }
0xbc: {  	s0 =	sadd.s32 $0x8F2B, s0  }
0xbd: {  	[sflag:s0] =	ssyncadd.remote.s32 $0x1  }
0xbe: {  	_ =	sfence.sel $0xFFFF  }
0xbf: {  	[dreg:$0x0] =	wrdreg $0xFFFFFFFF;
	(pc) =	sbr.abs _section_cstart, $3  }
0xc0: {  	[dreg:$0x1] =	wrdreg $0xFFFFFFFF  }
0xc1: {  	_ =	task.clear_ibuf [dreg:s7], $0x2FFFF;
	_ =	strace $0x9FFFFFFF  }
0xc2: {  	(tm) =	ssettm $0x7FFFFFFF  }
0xc3: {  	_ =	shalt  }
tec
execute0_lowered:
.L_overlay_start_1:
0x0: {  	(tag) =	ssettag $0x1  }
0x1: {  	s3 =	rddreg [dreg:$0x0]  }
0x2: {  	s4 =	rddreg [dreg:$0x1]  }
0x3: {  	s0 =	rddreg [dreg:$0x2]  }
0x4: {  	s5 =	srdreg.scid;
	s1 =	stileid.u32  }
0x5: {  	s2 =	simm.s32 $0x0;
	s5 =	sand.u32 $0x1, s5;
	s6 =	sshll.u32 s1, $0x1  }
0x6: {  	[smem:$0x7FF] =	sst s2;
	s6 =	sor.u32 s5, s6;
	s5 =	ssub.s32 $0x2, s5  }
0x7: {  	_ =	strace $0x80000047;
	s7 =	sshll.u32 s6, $0xB;
	s8 =	sshrl.u32 s5, $0x1  }
0x8: {  	s6 =	smul.u32 $0x4F0, s6;
	s3 =	sadd.s32 s7, s3;
	s5 =	ssub.s32 s5, s8  }
0x9: {  	s7 =	simm.s32 $0x4000;
	s8 =	simm.s32 $0x0;
	s3 =	sadd.s32 $0x1800, s3  }
0xa: {  	v0 =	vimm.f32 $0.0e+00;
	v1 =	vimm.f32 $1.000000000e+00;
	s4 =	sadd.s32 s4, s6;
	s5 =	smax.u32 s5, $0x1;
	s6 =	simm.s32 $0x1  }
.LBB2_1:
0xb: {  	s9 =	simm.s32 $0x40;
	s10 =	simm.s32 $0x0  }
.LBB2_2:
0xc: {  	p0 =	sne.s32 s9, $0x9DC0;
	[tilespmem:s10+$0x4000] =	vst v0;
	s10 =	smov.u32 s9;
	s9 =	sadd.s32 $0x40, s9  }
.Ltmp0:
0xd: {  	(pc) =	sbr.rel @p0 .LBB2_2-.Ltmp0, $2  }
0xe: {  	_ =	sdelay $0x2  }
0xf: {  	s10 =	sshra.s32 s10, $0x2  }
0x10: {  	[tilespmem:s10+$0x4000] =	vst v0  }
0x11: {  	[tilespmem:s2], [sflag:$0x1] =	stream.linear.gather [hbm4b:s3+s2], $0x3E80, $0x38;
	[tilespmem:$0x6780] =	vst v63  }
0x12: {  	_ =	swait.ge [sflag:s6], $0x3E80  }
0x13: {  	[sflag:s6] =	ssyncset.done $0x0  }
0x14: {  	s9 =	simm.s32 $0x100;
	[sflag:s6] =	ssyncadd.s32 $0xFFFFC180  }
.LBB2_4:
0x15: {  	s10 =	sshra.s32 s9, $0x2  }
0x16: {  	v2 =	vld [tilespmem:s10+$0xFFFFFFC0];
	_ =	sdelay $0x7  }
0x17: {  	[tilespmem:v2+s7+$0x0] =	vst.idx.add.f32.msk $0xffff, v1  }
0x18: {  	v2 =	vld [tilespmem:s10+$0xFFFFFFD0];
	_ =	sdelay $0x7  }
0x19: {  	[tilespmem:v2+s7+$0x0] =	vst.idx.add.f32.msk $0xffff, v1  }
0x1a: {  	v2 =	vld [tilespmem:s10+$0xFFFFFFE0];
	_ =	sdelay $0x7  }
0x1b: {  	[tilespmem:v2+s7+$0x0] =	vst.idx.add.f32.msk $0xffff, v1  }
0x1c: {  	v2 =	vld [tilespmem:s10+$0xFFFFFFF0];
	_ =	sdelay $0x7  }
0x1d: {  	[tilespmem:v2+s7+$0x0] =	vst.idx.add.f32.msk $0xffff, v1  }
0x1e: {  	v2 =	vld [tilespmem:s10+$0x0];
	_ =	sdelay $0x2  }
0x1f: {  	p0 =	sne.s32 s9, $0xF900  }
.Ltmp1:
0x20: {  	_ = 	snop;
	(pc) =	sbr.rel @p0 .LBB2_4-.Ltmp1, $2  }
0x21: {  	_ =	sdelay $0x2  }
0x22: {  	s9 =	sadd.s32 $0x200, s9;
	[tilespmem:v2+s7+$0x0] =	vst.idx.add.f32.msk $0xffff, v1  }
0x23: {  	s8 =	sadd.s32 $0x1, s8  }
0x24: {  	p0 =	sne.s32 s8, s5  }
.Ltmp2:
0x25: {  	_ = 	snop;
	(pc) =	sbr.rel @p0 .LBB2_1-.Ltmp2, $4  }
0x26: {  	[hbm4b:s4+s2] =	stream.linear.scatter [tilespmem:s7], [sflag:$0x1], $0x2780, $0x38;
	[tilespmem:$0x6780] =	vst v63  }
0x27: {  	_ =	swait.ge [sflag:s6], $0x2780  }
0x28: {  	[sflag:s6] =	ssyncset.done $0x0  }
0x29: {  	[sflag:s6] =	ssyncadd.s32 $0xFFFFD880  }
0x2a: {  	_ =	sfence.sel $0x180000  }
0x2b: {  	[bflag:$0x0] =	sbarrier.arrive $0xFFFF  }
0x2c: {  	p0 =	sne.s32 s1, $0x0;
	_ =	strace $0x90000047  }
0x2d: {  	s0 =	sadd.s32 @!p0 $0x100000, s0;
	[bflag:$0x2] =	sbarrier.arrive $0xFFFF  }
0x2e: {  	[sflag:s0] =	ssyncadd.tile.s32 @!p0 $0x1;
	_ =	shalt  }
.Lfunc_end2:
_tile_overlayer_lowered:
.L_overlay_start_2:
0x2f: {  	(tag) =	ssettag $0x2  }
0x30: {  	s0 =	rddreg [dreg:$0x0];
	s2 =	stileid.u32  }
0x31: {  	s1 =	rddreg [dreg:$0x1];
	p0 =	sne.s32 s2, $0x0  }
0x32: {  	s3 =	rddreg [dreg:$0x2];
	[bflag:$0x3] =	sbarrier.arrive $0xFFFF;
	s2 =	simm.s32 @!p0 $0x1C01  }
0x33: {  	[timem:s3], [sflag:s2] =	dma.local @!p0 [hbm:s0], s1  }
0x34: {  	s0 =	simm.s32 @!p0 $0x1  }
0x35: {  	_ =	swait.ge @!p0 [sflag:s0], s1  }
0x36: {  	s1 =	ssub.s32 @!p0 $0x0, s1;
	[sflag:s0] =	ssyncset.done @!p0 $0x0  }
0x37: {  	[sflag:s0] =	ssyncadd.s32 @!p0 s1  }
0x38: {  	[bflag:$0x3] =	sbarrier.arrive $0xFFFF  }
0x39: {  	_ =	shalt  }

</sc_bundles>
